<compile_context>
chip_gen: v7x
topology: tpu7x:2x2x1
jax: 0.10.2.dev20260603
libtpu: 0.0.44.dev20260713+nightly
codegen_flags: <defaults>
</compile_context>

<pallas_src>
import functools
import jax
import jax.numpy as jnp
from jax.experimental import pallas as pl
from jax.experimental.pallas import tpu as pltpu

BLK = 128
EROW = 128


def _mm_body(x_ref, w_ref, b_ref, o_ref, *, relu):
    acc = jnp.dot(x_ref[...], w_ref[...], preferred_element_type=jnp.float32)
    acc = acc + b_ref[...]
    if relu:
        acc = jnp.maximum(acc, 0.0)
    o_ref[...] = acc


def _matmul(x, w, b, relu=False, block_rows=1024):
    m, k = x.shape
    n = w.shape[1]
    grid = m // block_rows
    return pl.pallas_call(
        functools.partial(_mm_body, relu=relu),
        grid=(grid,),
        in_specs=[
            pl.BlockSpec((block_rows, k), lambda i: (i, 0)),
            pl.BlockSpec((k, n), lambda i: (0, 0)),
            pl.BlockSpec((1, n), lambda i: (0, 0)),
        ],
        out_specs=pl.BlockSpec((block_rows, n), lambda i: (i, 0)),
        out_shape=jax.ShapeDtypeStruct((m, n), jnp.float32),
    )(x, w, b)


def _mean_body(x_ref, o_ref, *, count):
    o_ref[...] = jnp.sum(x_ref[...], keepdims=True) / count


def _mean_scalar(flat2d, count):
    return pl.pallas_call(
        functools.partial(_mean_body, count=count),
        out_shape=jax.ShapeDtypeStruct((1, 1), jnp.float32),
    )(flat2d)[0, 0]


def _gat_body(starts_ref, hg_ref, adst_ref, dst_ref, ea_ref, we_ref, atte_ref,
              bias_ref, o_ref, gbuf, sem, *, relu, hid, haug):
    b = pl.program_id(0)
    c = jnp.sum(we_ref[...] * atte_ref[...])
    adst_vec = adst_ref[0, 0]
    rs = starts_ref[b] // EROW
    re = (starts_ref[b + 1] + (EROW - 1)) // EROW
    lane_ids = jax.lax.broadcasted_iota(jnp.int32, (EROW, BLK), 1)

    def body(j, carry):
        msg, den = carry
        cp = pltpu.make_async_copy(
            hg_ref.at[pl.ds(j * EROW, EROW)], gbuf, sem)
        cp.start()
        dsts = dst_ref[pl.ds(j, 1), :][0]
        eas = ea_ref[pl.ds(j, 1), :][0]
        dstl = dsts - b * BLK
        oh = (dstl[:, None] == lane_ids).astype(jnp.float32)
        a_d = jnp.dot(oh, adst_vec, preferred_element_type=jnp.float32)
        cp.wait()
        g = gbuf[...]
        a_s = g[:, hid]
        alpha = a_s + a_d + eas * c
        alpha = jnp.where(alpha >= 0.0, alpha, 0.2 * alpha)
        ex = jnp.exp(alpha)
        msg = msg + jnp.dot(oh.T, (g * ex[:, None])[:, :hid],
                            preferred_element_type=jnp.float32)
        den = den + jnp.dot(oh.T, ex[:, None],
                            preferred_element_type=jnp.float32)
        return msg, den

    msg0 = jnp.zeros((BLK, hid), jnp.float32)
    den0 = jnp.zeros((BLK, 1), jnp.float32)
    msg, den = jax.lax.fori_loop(rs, re, body, (msg0, den0))
    out = msg / (den + 1e-16) + bias_ref[...]
    if relu:
        out = jnp.maximum(out, 0.0)
    o_ref[...] = out


def _gat_layer(hg, adst_t, dsts2d, eas2d, starts, We, att_e, bias, relu):
    haug = hg.shape[1]
    hid = haug - 128
    nblk = adst_t.shape[0]
    np_ = nblk * BLK
    return pl.pallas_call(
        functools.partial(_gat_body, relu=relu, hid=hid, haug=haug),
        grid=(nblk,),
        in_specs=[
            pl.BlockSpec(memory_space=pltpu.SMEM),
            pl.BlockSpec(memory_space=pl.ANY),
            pl.BlockSpec((1, 1, BLK), lambda i: (i, 0, 0)),
            pl.BlockSpec(dsts2d.shape, lambda i: (0, 0)),
            pl.BlockSpec(eas2d.shape, lambda i: (0, 0)),
            pl.BlockSpec((1, We.shape[1]), lambda i: (0, 0)),
            pl.BlockSpec((1, att_e.shape[1]), lambda i: (0, 0)),
            pl.BlockSpec((1, hid), lambda i: (0, 0)),
        ],
        out_specs=pl.BlockSpec((BLK, hid), lambda i: (i, 0)),
        out_shape=jax.ShapeDtypeStruct((np_, hid), jnp.float32),
        scratch_shapes=[
            pltpu.VMEM((EROW, haug), jnp.float32),
            pltpu.SemaphoreType.DMA,
        ],
    )(starts, hg, adst_t, dsts2d, eas2d, We, att_e, bias)


def _augment(W, att_s, att_d):
    hid = W.shape[1]
    ws = (W @ att_s)[:, None]
    wd = (W @ att_d)[:, None]
    pad = jnp.zeros((W.shape[0], 128 - 2), W.dtype)
    return jnp.concatenate([W, ws, wd, pad], axis=1)


def kernel(x, edge_index, edge_attr, W1, att_s1, att_d1, We1, att_e1, b1,
           W2, att_s2, att_d2, We2, att_e2, b2, Wfc, bfc):
    n, in_dim = x.shape
    e = edge_index.shape[1]
    np_ = ((n + 1279) // 1280) * 1280
    x_pad = jnp.pad(x, ((0, np_ - n), (0, 0)))

    ei = edge_index.astype(jnp.int32)
    loop = jnp.arange(n, dtype=jnp.int32)
    ea_flat = edge_attr[:, 0]
    erows = e // EROW
    mean_ea = _mean_scalar(ea_flat.reshape(erows, EROW), float(e))
    src_all = jnp.concatenate([ei[0], loop])
    dst_all = jnp.concatenate([ei[1], loop])
    ea_all = jnp.concatenate([ea_flat, jnp.full((n,), mean_ea, jnp.float32)])
    tot = e + n
    tot_pad = ((tot + EROW - 1) // EROW) * EROW
    padn = tot_pad - tot
    src_all = jnp.pad(src_all, (0, padn))
    dst_all = jnp.pad(dst_all, (0, padn), constant_values=jnp.int32(2**30))
    ea_all = jnp.pad(ea_all, (0, padn))
    perm = jnp.argsort(dst_all)
    srcs = src_all[perm]
    dsts = dst_all[perm]
    eas = ea_all[perm]
    nblk = np_ // BLK
    starts = jnp.searchsorted(
        dsts, jnp.arange(nblk + 1, dtype=jnp.int32) * BLK).astype(jnp.int32)
    srcs2d = srcs.reshape(-1, EROW)
    dsts2d = dsts.reshape(-1, EROW)
    eas2d = eas.reshape(-1, EROW)

    zeros640 = jnp.zeros((1, W1.shape[1] + 128), jnp.float32)

    W1a = _augment(W1, att_s1, att_d1)
    h1_aug = _matmul(x_pad, W1a, zeros640)
    hg1 = h1_aug[srcs]
    adst1 = h1_aug[:, W1.shape[1] + 1].reshape(-1, 1, BLK)
    g1 = _gat_layer(hg1, adst1, dsts2d, eas2d, starts,
                    We1.reshape(1, -1), att_e1.reshape(1, -1),
                    b1.reshape(1, -1), relu=True)

    W2a = _augment(W2, att_s2, att_d2)
    h2_aug = _matmul(g1, W2a, zeros640)
    hg2 = h2_aug[srcs]
    adst2 = h2_aug[:, W2.shape[1] + 1].reshape(-1, 1, BLK)
    g2 = _gat_layer(hg2, adst2, dsts2d, eas2d, starts,
                    We2.reshape(1, -1), att_e2.reshape(1, -1),
                    b2.reshape(1, -1), relu=False)

    out = _matmul(g2, Wfc, bfc.reshape(1, -1))
    return out[:n]

# --- scband reference (transcript-rebuilt; emitter-appended) ---
"""Pipeline reference for scband-gat-18906446037103 (READ-ONLY COPY).

The authoritative reference and input builder live on the scoring server;
editing this copy changes nothing except your own understanding.
"""

import jax, jax.numpy as jnp
import numpy as np

N = 10000
E = 160000
IN = 256
HID = 512
OUT = 256


def gat_conv(x, edge_index, edge_attr, W, att_s, att_d, We, att_e, b):
    # PyG GATConv, heads=1, concat=True, edge_dim=1, add_self_loops=True (default)
    n = x.shape[0]
    loop = jnp.arange(n)
    src = jnp.concatenate([edge_index[0], loop])
    dst = jnp.concatenate([edge_index[1], loop])
    loop_attr = jnp.broadcast_to(jnp.mean(edge_attr, axis=0, keepdims=True), (n, edge_attr.shape[1]))
    ea = jnp.concatenate([edge_attr, loop_attr], axis=0)
    h = x @ W  # [n, H]
    a_src = (h * att_s).sum(-1)  # [n]
    a_dst = (h * att_d).sum(-1)  # [n]
    e = ea @ We  # [E+n, H]
    a_e = (e * att_e).sum(-1)
    alpha = a_src[src] + a_dst[dst] + a_e
    alpha = jax.nn.leaky_relu(alpha, 0.2)
    amax = jax.ops.segment_max(alpha, dst, num_segments=n)
    amax = jnp.where(jnp.isfinite(amax), amax, 0.0)
    ex = jnp.exp(alpha - amax[dst])
    denom = jax.ops.segment_sum(ex, dst, num_segments=n)
    coef = ex / (denom[dst] + 1e-16)
    msg = h[src] * coef[:, None]
    out = jax.ops.segment_sum(msg, dst, num_segments=n)
    return out + b


def setup_inputs(seed: int = 0) -> dict:
    key = jax.random.key(seed)
    ks = jax.random.split(key, 20)
    inp = {}
    inp['x'] = jax.random.normal(ks[0], (N, IN), dtype=jnp.float32)
    inp['edge_index'] = jax.random.randint(ks[1], (2, E), 0, N, dtype=jnp.int64)
    inp['edge_attr'] = jax.random.normal(ks[2], (E, 1), dtype=jnp.float32)
    s1 = 1.0 / np.sqrt(IN)
    s2 = 1.0 / np.sqrt(HID)
    inp['W1'] = jax.random.normal(ks[3], (IN, HID), dtype=jnp.float32) * s1
    inp['att_s1'] = jax.random.normal(ks[4], (HID,), dtype=jnp.float32) * s2
    inp['att_d1'] = jax.random.normal(ks[5], (HID,), dtype=jnp.float32) * s2
    inp['We1'] = jax.random.normal(ks[6], (1, HID), dtype=jnp.float32)
    inp['att_e1'] = jax.random.normal(ks[7], (HID,), dtype=jnp.float32) * s2
    inp['b1'] = jnp.zeros((HID,), dtype=jnp.float32)
    inp['W2'] = jax.random.normal(ks[8], (HID, HID), dtype=jnp.float32) * s2
    inp['att_s2'] = jax.random.normal(ks[9], (HID,), dtype=jnp.float32) * s2
    inp['att_d2'] = jax.random.normal(ks[10], (HID,), dtype=jnp.float32) * s2
    inp['We2'] = jax.random.normal(ks[11], (1, HID), dtype=jnp.float32)
    inp['att_e2'] = jax.random.normal(ks[12], (HID,), dtype=jnp.float32) * s2
    inp['b2'] = jnp.zeros((HID,), dtype=jnp.float32)
    inp['Wfc'] = jax.random.normal(ks[13], (HID, OUT), dtype=jnp.float32) * s2
    inp['bfc'] = jnp.zeros((OUT,), dtype=jnp.float32)
    return inp


def reference(x, edge_index, edge_attr, W1, att_s1, att_d1, We1, att_e1, b1, W2, att_s2, att_d2, We2, att_e2, b2, Wfc, bfc):
    h = jax.nn.relu(gat_conv(x, edge_index, edge_attr, W1, att_s1, att_d1, We1, att_e1, b1))
    h = gat_conv(h, edge_index, edge_attr, W2, att_s2, att_d2, We2, att_e2, b2)
    return h @ Wfc + bfc

if __name__ == "__main__":
    import jax
    _d = setup_inputs()
    print(jax.jit(kernel)(*tuple(_d.values())))

</pallas_src>

<mosaic_0001>
module attributes {stable_mosaic.version = 14 : i64} {
  func.func @_mm_body(%arg0: i32, %arg1: memref<1024x256xf32, #tpu.memory_space<vmem>>, %arg2: memref<256x640xf32, #tpu.memory_space<vmem>>, %arg3: memref<1x640xf32, #tpu.memory_space<vmem>>, %arg4: memref<1024x640xf32, #tpu.memory_space<vmem>>) attributes {dimension_semantics = [#tpu.dimension_semantics<arbitrary>], iteration_bounds = array<i64: 10>, scalar_prefetch = 0 : i64, scratch_operands = 0 : i64, tpu.core_type = #tpu.core_type<tc>, window_params = [{transform_indices = @transform_0, window_bounds = array<i64: 1024, 256>}, {pipeline_mode = #tpu.pipeline_mode<synchronous>, transform_indices = @transform_1, window_bounds = array<i64: 256, 640>}, {pipeline_mode = #tpu.pipeline_mode<synchronous>, transform_indices = @transform_2, window_bounds = array<i64: 1, 640>}, {transform_indices = @transform_3, window_bounds = array<i64: 1024, 640>}]} {
    %get3A = arith.constant 0 : index
    %get3A_0 = arith.constant 0 : index
    %get3A_1 = vector.load %arg1[%get3A, %get3A_0] : memref<1024x256xf32, #tpu.memory_space<vmem>>, vector<1024x256xf32>
    %get3A_2 = arith.constant 0 : index
    %get3A_3 = arith.constant 0 : index
    %get3A_4 = vector.load %arg2[%get3A_2, %get3A_3] : memref<256x640xf32, #tpu.memory_space<vmem>>, vector<256x640xf32>
    %dot_general3A = arith.constant dense<0.000000e+00> : vector<1024x640xf32>
    %dot_general3A_5 = tpu.matmul %get3A_1, %get3A_4, %dot_general3A {dimension_numbers = #tpu.dot_dimension_numbers<[1], [0], [0], [1], [0, 0, 1, 1], [], []>, transpose_lhs_hint = false} : vector<1024x256xf32>, vector<256x640xf32>, vector<1024x640xf32> -> vector<1024x640xf32>
    %get3A_6 = arith.constant 0 : index
    %get3A_7 = arith.constant 0 : index
    %get3A_8 = vector.load %arg3[%get3A_6, %get3A_7] : memref<1x640xf32, #tpu.memory_space<vmem>>, vector<1x640xf32>
    %add3A = vector.broadcast %get3A_8 : vector<1x640xf32> to vector<1024x640xf32>
    %add3A_9 = arith.addf %dot_general3A_5, %add3A : vector<1024x640xf32>
    %swap3A = arith.constant 0 : index
    %swap3A_10 = arith.constant 0 : index
    %swap3A_11 = vector.load %arg4[%swap3A, %swap3A_10] : memref<1024x640xf32, #tpu.memory_space<vmem>>, vector<1024x640xf32>
    tpu.vector_store %arg4[%swap3A, %swap3A_10], %add3A_9 {strides = array<i32>} : memref<1024x640xf32, #tpu.memory_space<vmem>>, vector<1024x640xf32>,
    return
  }
  func.func @transform_0(%arg0: i32) -> (i32, i32) {
    %c0_i32 = arith.constant 0 : i32
    %c0_i32_0 = arith.constant 0 : i32
    return %arg0, %c0_i32 : i32, i32
  }
  func.func @transform_1(%arg0: i32) -> (i32, i32) {
    %c0_i32 = arith.constant 0 : i32
    %c0_i32_0 = arith.constant 0 : i32
    %c0_i32_1 = arith.constant 0 : i32
    return %c0_i32, %c0_i32_0 : i32, i32
  }
  func.func @transform_2(%arg0: i32) -> (i32, i32) {
    %c0_i32 = arith.constant 0 : i32
    %c0_i32_0 = arith.constant 0 : i32
    %c0_i32_1 = arith.constant 0 : i32
    return %c0_i32, %c0_i32_0 : i32, i32
  }
  func.func @transform_3(%arg0: i32) -> (i32, i32) {
    %c0_i32 = arith.constant 0 : i32
    %c0_i32_0 = arith.constant 0 : i32
    return %arg0, %c0_i32 : i32, i32
  }
}

module attributes {stable_mosaic.version = 14 : i64} {
  func.func @_mean_body(%arg0: memref<1250x128xf32, #tpu.memory_space<vmem>>, %arg1: memref<1x1xf32, #tpu.memory_space<vmem>>) attributes {dimension_semantics = [], scalar_prefetch = 0 : i64, scratch_operands = 0 : i64, tpu.core_type = #tpu.core_type<tc>} {
    %get3A = arith.constant 0 : index
    %get3A_0 = arith.constant 0 : index
    %get3A_1 = vector.load %arg0[%get3A, %get3A_0] : memref<1250x128xf32, #tpu.memory_space<vmem>>, vector<1250x128xf32>
    %reduce_sum3A = vector.shape_cast %get3A_1 : vector<1250x128xf32> to vector<1x1250x128xf32>
    %reduce_sum3A_2 = arith.constant dense<0.000000e+00> : vector<1xf32>
    %reduce_sum3A_3 = vector.multi_reduction <add>, %reduce_sum3A, %reduce_sum3A_2 [1, 2] : vector<1x1250x128xf32> to vector<1xf32>
    %reduce_sum3A_4 = vector.shape_cast %reduce_sum3A_3 : vector<1xf32> to vector<1x1x1xf32>
    %reduce_sum3A_5 = vector.extract %reduce_sum3A_4[0, 0, 0] : f32 from vector<1x1x1xf32>
    %broadcast_in_dim3A = vector.broadcast %reduce_sum3A_5 : f32 to vector<1x1xf32>
    %div3A = arith.constant 1.600000e+05 : f32
    %div3A_6 = vector.broadcast %div3A : f32 to vector<1x1xf32>
    %div3A_7 = arith.divf %broadcast_in_dim3A, %div3A_6 : vector<1x1xf32>
    %swap3A = arith.constant 0 : index
    %swap3A_8 = arith.constant 0 : index
    %swap3A_9 = vector.load %arg1[%swap3A, %swap3A_8] : memref<1x1xf32, #tpu.memory_space<vmem>>, vector<1x1xf32>
    tpu.vector_store %arg1[%swap3A, %swap3A_8], %div3A_7 {strides = array<i32>} : memref<1x1xf32, #tpu.memory_space<vmem>>, vector<1x1xf32>,
    return
  }
}

module attributes {stable_mosaic.version = 14 : i64} {
  func.func @_gat_body(%arg0: i32, %arg1: memref<81xi32, #tpu.memory_space<smem>>, %arg2: memref<170112x640xf32, #tpu.memory_space<any>>, %arg3: memref<1x1x128xf32, #tpu.memory_space<vmem>>, %arg4: memref<1329x128xi32, #tpu.memory_space<vmem>>, %arg5: memref<1329x128xf32, #tpu.memory_space<vmem>>, %arg6: memref<1x512xf32, #tpu.memory_space<vmem>>, %arg7: memref<1x512xf32, #tpu.memory_space<vmem>>, %arg8: memref<1x512xf32, #tpu.memory_space<vmem>>, %arg9: memref<128x512xf32, #tpu.memory_space<vmem>>, %arg10: memref<128x640xf32, #tpu.memory_space<vmem>>, %arg11: memref<!tpu.dma_semaphore, #tpu.memory_space<semaphore_mem>>) attributes {dimension_semantics = [#tpu.dimension_semantics<arbitrary>], iteration_bounds = array<i64: 80>, scalar_prefetch = 0 : i64, scratch_operands = 2 : i64, tpu.core_type = #tpu.core_type<tc>, window_params = [{transform_indices = @transform_0, window_bounds = array<i64: 81>}, {}, {transform_indices = @transform_2, window_bounds = array<i64: 1, 1, 128>}, {pipeline_mode = #tpu.pipeline_mode<synchronous>, transform_indices = @transform_3, window_bounds = array<i64: 1329, 128>}, {pipeline_mode = #tpu.pipeline_mode<synchronous>, transform_indices = @transform_4, window_bounds = array<i64: 1329, 128>}, {pipeline_mode = #tpu.pipeline_mode<synchronous>, transform_indices = @transform_5, window_bounds = array<i64: 1, 512>}, {pipeline_mode = #tpu.pipeline_mode<synchronous>, transform_indices = @transform_6, window_bounds = array<i64: 1, 512>}, {pipeline_mode = #tpu.pipeline_mode<synchronous>, transform_indices = @transform_7, window_bounds = array<i64: 1, 512>}, {transform_indices = @transform_8, window_bounds = array<i64: 128, 512>}]} {
    %get3A = arith.constant 0 : index
    %get3A_0 = arith.constant 0 : index
    %get3A_1 = vector.load %arg6[%get3A, %get3A_0] : memref<1x512xf32, #tpu.memory_space<vmem>>, vector<1x512xf32>
    %get3A_2 = arith.constant 0 : index
    %get3A_3 = arith.constant 0 : index
    %get3A_4 = vector.load %arg7[%get3A_2, %get3A_3] : memref<1x512xf32, #tpu.memory_space<vmem>>, vector<1x512xf32>
    %mul3A = arith.mulf %get3A_1, %get3A_4 : vector<1x512xf32>
    %reduce_sum3A = vector.shape_cast %mul3A : vector<1x512xf32> to vector<1x1x512xf32>
    %reduce_sum3A_5 = arith.constant dense<0.000000e+00> : vector<1xf32>
    %reduce_sum3A_6 = vector.multi_reduction <add>, %reduce_sum3A, %reduce_sum3A_5 [1, 2] : vector<1x1x512xf32> to vector<1xf32>
    %reduce_sum3A_7 = vector.shape_cast %reduce_sum3A_6 : vector<1xf32> to vector<1x1x1xf32>
    %reduce_sum3A_8 = vector.extract %reduce_sum3A_7[0, 0, 0] : f32 from vector<1x1x1xf32>
    %get3A_9 = arith.constant 0 : index
    %get3A_10 = arith.constant 0 : index
    %get3A_11 = arith.constant 0 : index
    %get3A_12 = vector.load %arg3[%get3A_9, %get3A_10, %get3A_11] : memref<1x1x128xf32, #tpu.memory_space<vmem>>, vector<1x1x128xf32>
    %get3A_13 = vector.shape_cast %get3A_12 : vector<1x1x128xf32> to vector<128xf32>
    %get3A_14 = arith.index_cast %arg0 : i32 to index
    %get3A_15 = memref.load %arg1[%get3A_14] : memref<81xi32, #tpu.memory_space<smem>>
    %jit3A = arith.constant 128 : i32
    %div3A = arith.divsi %get3A_15, %jit3A : i32
    %sign3A = arith.constant 0 : i32
    %sign3A_16 = arith.cmpi sgt, %get3A_15, %sign3A : i32
    %sign3A_17 = arith.extui %sign3A_16 : i1 to i32
    %sign3A_18 = arith.constant 0 : i32
    %sign3A_19 = arith.cmpi slt, %get3A_15, %sign3A_18 : i32
    %sign3A_20 = arith.extui %sign3A_19 : i1 to i32
    %sign3A_21 = arith.subi %sign3A_17, %sign3A_20 : i32
    %sign3A_22 = arith.constant 0 : i32
    %sign3A_23 = arith.cmpi sgt, %jit3A, %sign3A_22 : i32
    %sign3A_24 = arith.extui %sign3A_23 : i1 to i32
    %sign3A_25 = arith.constant 0 : i32
    %sign3A_26 = arith.cmpi slt, %jit3A, %sign3A_25 : i32
    %sign3A_27 = arith.extui %sign3A_26 : i1 to i32
    %sign3A_28 = arith.subi %sign3A_24, %sign3A_27 : i32
    %ne3A = arith.cmpi ne, %sign3A_21, %sign3A_28 : i32
    %rem3A = arith.remsi %get3A_15, %jit3A : i32
    %ne3A_29 = arith.constant 0 : i32
    %ne3A_30 = arith.cmpi ne, %rem3A, %ne3A_29 : i32
    %and3A = arith.andi %ne3A, %ne3A_30 : i1
    %sub3A = arith.constant 1 : i32
    %sub3A_31 = arith.subi %div3A, %sub3A : i32
    %select_n3A = arith.select %and3A, %sub3A_31, %div3A : i32
    %add3A = arith.constant 1 : i32
    %add3A_32 = arith.addi %arg0, %add3A : i32
    %get3A_33 = arith.index_cast %add3A_32 : i32 to index
    %get3A_34 = memref.load %arg1[%get3A_33] : memref<81xi32, #tpu.memory_space<smem>>
    %add3A_35 = arith.constant 127 : i32
    %add3A_36 = arith.addi %get3A_34, %add3A_35 : i32
    %jit3A_37 = arith.constant 128 : i32
    %div3A_38 = arith.divsi %add3A_36, %jit3A_37 : i32
    %sign3A_39 = arith.constant 0 : i32
    %sign3A_40 = arith.cmpi sgt, %add3A_36, %sign3A_39 : i32
    %sign3A_41 = arith.extui %sign3A_40 : i1 to i32
    %sign3A_42 = arith.constant 0 : i32
    %sign3A_43 = arith.cmpi slt, %add3A_36, %sign3A_42 : i32
    %sign3A_44 = arith.extui %sign3A_43 : i1 to i32
    %sign3A_45 = arith.subi %sign3A_41, %sign3A_44 : i32
    %sign3A_46 = arith.constant 0 : i32
    %sign3A_47 = arith.cmpi sgt, %jit3A_37, %sign3A_46 : i32
    %sign3A_48 = arith.extui %sign3A_47 : i1 to i32
    %sign3A_49 = arith.constant 0 : i32
    %sign3A_50 = arith.cmpi slt, %jit3A_37, %sign3A_49 : i32
    %sign3A_51 = arith.extui %sign3A_50 : i1 to i32
    %sign3A_52 = arith.subi %sign3A_48, %sign3A_51 : i32
    %ne3A_53 = arith.cmpi ne, %sign3A_45, %sign3A_52 : i32
    %rem3A_54 = arith.remsi %add3A_36, %jit3A_37 : i32
    %ne3A_55 = arith.constant 0 : i32
    %ne3A_56 = arith.cmpi ne, %rem3A_54, %ne3A_55 : i32
    %and3A_57 = arith.andi %ne3A_53, %ne3A_56 : i1
    %sub3A_58 = arith.constant 1 : i32
    %sub3A_59 = arith.subi %div3A_38, %sub3A_58 : i32
    %select_n3A_60 = arith.select %and3A_57, %sub3A_59, %div3A_38 : i32
    %iota3A = tpu.iota {dimensions = array<i32: 1>} : vector<128x128xi32>
    %broadcast_in_dim3A = arith.constant 0.000000e+00 : f32
    %broadcast_in_dim3A_61 = vector.broadcast %broadcast_in_dim3A : f32 to vector<128x512xf32>
    %broadcast_in_dim3A_62 = arith.constant 0.000000e+00 : f32
    %broadcast_in_dim3A_63 = vector.broadcast %broadcast_in_dim3A_62 : f32 to vector<128x1xf32>
    %while3A = arith.subi %select_n3A_60, %select_n3A : i32
    %while3A_64 = arith.addi %select_n3A, %while3A : i32
    %while3A_65 = arith.constant 1 : i32
    %while3A_66 = arith.divsi %while3A, %while3A_65 : i32
    %while3A_67 = arith.muli %while3A_66, %while3A_65 : i32
    %while3A_68 = arith.addi %select_n3A, %while3A_67 : i32
    %while3A_69 = arith.constant 1 : i32
    %while3A_70:2 = scf.for %while3A_87 = %select_n3A to %while3A_68 step %while3A_69 iter_args(%while3A_88 = %broadcast_in_dim3A_61, %while3A_89 = %broadcast_in_dim3A_63) -> (vector<128x512xf32>, vector<128x1xf32>)  : i32 {
      %mul3A_90 = arith.constant 128 : i32
      %mul3A_91 = arith.muli %while3A_87, %mul3A_90 : i32
      %dma_start3A = arith.constant 0 : i32
      %dma_start3A_92 = tpu.memref_slice %arg2[%mul3A_91, %dma_start3A] : memref<170112x640xf32, #tpu.memory_space<any>> -> memref<128x640xf32, #tpu.memory_space<any>>
      tpu.enqueue_dma source(%dma_start3A_92 : memref<128x640xf32, #tpu.memory_space<any>>) target(%arg10 : memref<128x640xf32, #tpu.memory_space<vmem>>) target_semaphore(%arg11 : memref<!tpu.dma_semaphore, #tpu.memory_space<semaphore_mem>>)
      %get3A_93 = arith.index_cast %while3A_87 : i32 to index
      %get3A_94 = arith.constant 0 : index
      %get3A_95 = vector.load %arg4[%get3A_93, %get3A_94] : memref<1329x128xi32, #tpu.memory_space<vmem>>, vector<1x128xi32>
      %squeeze3A = vector.shape_cast %get3A_95 : vector<1x128xi32> to vector<128xi32>
      %get3A_96 = arith.index_cast %while3A_87 : i32 to index
      %get3A_97 = arith.constant 0 : index
      %get3A_98 = vector.load %arg5[%get3A_96, %get3A_97] : memref<1329x128xf32, #tpu.memory_space<vmem>>, vector<1x128xf32>
      %squeeze3A_99 = vector.shape_cast %get3A_98 : vector<1x128xf32> to vector<128xf32>
      %mul3A_100 = arith.constant 128 : i32
      %mul3A_101 = arith.muli %arg0, %mul3A_100 : i32
      %sub3A_102 = vector.broadcast %mul3A_101 : i32 to vector<128xi32>
      %sub3A_103 = arith.subi %squeeze3A, %sub3A_102 : vector<128xi32>
      %broadcast_in_dim3A_104 = vector.shape_cast %sub3A_103 : vector<128xi32> to vector<128x1xi32>
      %eq3A = vector.broadcast %broadcast_in_dim3A_104 : vector<128x1xi32> to vector<128x128xi32>
      %eq3A_105 = arith.cmpi eq, %eq3A, %iota3A : vector<128x128xi32>
      %convert_element_type3A = arith.extui %eq3A_105 : vector<128x128xi1> to vector<128x128xi32>
      %convert_element_type3A_106 = arith.sitofp %convert_element_type3A : vector<128x128xi32> to vector<128x128xf32>
      %dot_general3A = arith.constant dense<0.000000e+00> : vector<128xf32>
      %dot_general3A_107 = tpu.matmul %convert_element_type3A_106, %get3A_13, %dot_general3A {dimension_numbers = #tpu.dot_dimension_numbers<[1], [0], [0], [], [0, 0], [], []>, transpose_lhs_hint = false} : vector<128x128xf32>, vector<128xf32>, vector<128xf32> -> vector<128xf32>
      %dma_wait3A = arith.constant 0 : i32
      %dma_wait3A_108 = tpu.memref_slice %arg2[%mul3A_91, %dma_wait3A] : memref<170112x640xf32, #tpu.memory_space<any>> -> memref<128x640xf32, #tpu.memory_space<any>>
      tpu.wait_dma2 semaphore(%arg11 : memref<!tpu.dma_semaphore, #tpu.memory_space<semaphore_mem>>) src(%dma_wait3A_108 : memref<128x640xf32, #tpu.memory_space<any>>) dst(%arg10 : memref<128x640xf32, #tpu.memory_space<vmem>>)
      %get3A_109 = arith.constant 0 : index
      %get3A_110 = arith.constant 0 : index
      %get3A_111 = vector.load %arg10[%get3A_109, %get3A_110] : memref<128x640xf32, #tpu.memory_space<vmem>>, vector<128x640xf32>
      %slice3A = vector.extract_strided_slice %get3A_111 {offsets = [0, 512], sizes = [128, 1], strides = [1, 1]} : vector<128x640xf32> to vector<128x1xf32>
      %squeeze3A_112 = vector.shape_cast %slice3A : vector<128x1xf32> to vector<128xf32>
      %add3A_113 = arith.addf %squeeze3A_112, %dot_general3A_107 : vector<128xf32>
      %mul3A_114 = vector.broadcast %reduce_sum3A_8 : f32 to vector<128xf32>
      %mul3A_115 = arith.mulf %squeeze3A_99, %mul3A_114 : vector<128xf32>
      %add3A_116 = arith.addf %add3A_113, %mul3A_115 : vector<128xf32>
      %ge3A = arith.constant 0.000000e+00 : f32
      %ge3A_117 = vector.broadcast %ge3A : f32 to vector<128xf32>
      %ge3A_118 = arith.cmpf oge, %add3A_116, %ge3A_117 : vector<128xf32>
      %mul3A_119 = arith.constant 2.000000e-01 : f32
      %mul3A_120 = vector.broadcast %mul3A_119 : f32 to vector<128xf32>
      %mul3A_121 = arith.mulf %mul3A_120, %add3A_116 : vector<128xf32>
      %select_n3A_122 = arith.select %ge3A_118, %add3A_116, %mul3A_121 : vector<128xi1>, vector<128xf32>
      %exp3A = math.exp %select_n3A_122 : vector<128xf32>
      %transpose3A = tpu.transpose %convert_element_type3A_106, [1, 0] : vector<128x128xf32> -> vector<128x128xf32>
      %broadcast_in_dim3A_123 = vector.shape_cast %exp3A : vector<128xf32> to vector<128x1xf32>
      %mul3A_124 = vector.broadcast %broadcast_in_dim3A_123 : vector<128x1xf32> to vector<128x640xf32>
      %mul3A_125 = arith.mulf %get3A_111, %mul3A_124 : vector<128x640xf32>
      %slice3A_126 = vector.extract_strided_slice %mul3A_125 {offsets = [0, 0], sizes = [128, 512], strides = [1, 1]} : vector<128x640xf32> to vector<128x512xf32>
      %dot_general3A_127 = arith.constant dense<0.000000e+00> : vector<128x512xf32>
      %dot_general3A_128 = tpu.matmul %transpose3A, %slice3A_126, %dot_general3A_127 {dimension_numbers = #tpu.dot_dimension_numbers<[1], [0], [0], [1], [0, 0, 1, 1], [], []>, transpose_lhs_hint = false} : vector<128x128xf32>, vector<128x512xf32>, vector<128x512xf32> -> vector<128x512xf32>
      %add3A_129 = arith.addf %while3A_88, %dot_general3A_128 : vector<128x512xf32>
      %transpose3A_130 = tpu.transpose %convert_element_type3A_106, [1, 0] : vector<128x128xf32> -> vector<128x128xf32>
      %broadcast_in_dim3A_131 = vector.shape_cast %exp3A : vector<128xf32> to vector<128x1xf32>
      %dot_general3A_132 = arith.constant dense<0.000000e+00> : vector<128x1xf32>
      %dot_general3A_133 = tpu.matmul %transpose3A_130, %broadcast_in_dim3A_131, %dot_general3A_132 {dimension_numbers = #tpu.dot_dimension_numbers<[1], [0], [0], [1], [0, 0, 1, 1], [], []>, transpose_lhs_hint = false} : vector<128x128xf32>, vector<128x1xf32>, vector<128x1xf32> -> vector<128x1xf32>
      %add3A_134 = arith.addf %while3A_89, %dot_general3A_133 : vector<128x1xf32>
      scf.yield %add3A_129, %add3A_134 : vector<128x512xf32>, vector<128x1xf32>
    }
    %while3A_71 = arith.constant 1 : i32
    %while3A_72:2 = scf.for %while3A_87 = %while3A_68 to %while3A_64 step %while3A_71 iter_args(%while3A_88 = %while3A_70#0, %while3A_89 = %while3A_70#1) -> (vector<128x512xf32>, vector<128x1xf32>)  : i32 {
      %mul3A_90 = arith.constant 128 : i32
      %mul3A_91 = arith.muli %while3A_87, %mul3A_90 : i32
      %dma_start3A = arith.constant 0 : i32
      %dma_start3A_92 = tpu.memref_slice %arg2[%mul3A_91, %dma_start3A] : memref<170112x640xf32, #tpu.memory_space<any>> -> memref<128x640xf32, #tpu.memory_space<any>>
      tpu.enqueue_dma source(%dma_start3A_92 : memref<128x640xf32, #tpu.memory_space<any>>) target(%arg10 : memref<128x640xf32, #tpu.memory_space<vmem>>) target_semaphore(%arg11 : memref<!tpu.dma_semaphore, #tpu.memory_space<semaphore_mem>>)
      %get3A_93 = arith.index_cast %while3A_87 : i32 to index
      %get3A_94 = arith.constant 0 : index
      %get3A_95 = vector.load %arg4[%get3A_93, %get3A_94] : memref<1329x128xi32, #tpu.memory_space<vmem>>, vector<1x128xi32>
      %squeeze3A = vector.shape_cast %get3A_95 : vector<1x128xi32> to vector<128xi32>
      %get3A_96 = arith.index_cast %while3A_87 : i32 to index
      %get3A_97 = arith.constant 0 : index
      %get3A_98 = vector.load %arg5[%get3A_96, %get3A_97] : memref<1329x128xf32, #tpu.memory_space<vmem>>, vector<1x128xf32>
      %squeeze3A_99 = vector.shape_cast %get3A_98 : vector<1x128xf32> to vector<128xf32>
      %mul3A_100 = arith.constant 128 : i32
      %mul3A_101 = arith.muli %arg0, %mul3A_100 : i32
      %sub3A_102 = vector.broadcast %mul3A_101 : i32 to vector<128xi32>
      %sub3A_103 = arith.subi %squeeze3A, %sub3A_102 : vector<128xi32>
      %broadcast_in_dim3A_104 = vector.shape_cast %sub3A_103 : vector<128xi32> to vector<128x1xi32>
      %eq3A = vector.broadcast %broadcast_in_dim3A_104 : vector<128x1xi32> to vector<128x128xi32>
      %eq3A_105 = arith.cmpi eq, %eq3A, %iota3A : vector<128x128xi32>
      %convert_element_type3A = arith.extui %eq3A_105 : vector<128x128xi1> to vector<128x128xi32>
      %convert_element_type3A_106 = arith.sitofp %convert_element_type3A : vector<128x128xi32> to vector<128x128xf32>
      %dot_general3A = arith.constant dense<0.000000e+00> : vector<128xf32>
      %dot_general3A_107 = tpu.matmul %convert_element_type3A_106, %get3A_13, %dot_general3A {dimension_numbers = #tpu.dot_dimension_numbers<[1], [0], [0], [], [0, 0], [], []>, transpose_lhs_hint = false} : vector<128x128xf32>, vector<128xf32>, vector<128xf32> -> vector<128xf32>
      %dma_wait3A = arith.constant 0 : i32
      %dma_wait3A_108 = tpu.memref_slice %arg2[%mul3A_91, %dma_wait3A] : memref<170112x640xf32, #tpu.memory_space<any>> -> memref<128x640xf32, #tpu.memory_space<any>>
      tpu.wait_dma2 semaphore(%arg11 : memref<!tpu.dma_semaphore, #tpu.memory_space<semaphore_mem>>) src(%dma_wait3A_108 : memref<128x640xf32, #tpu.memory_space<any>>) dst(%arg10 : memref<128x640xf32, #tpu.memory_space<vmem>>)
      %get3A_109 = arith.constant 0 : index
      %get3A_110 = arith.constant 0 : index
      %get3A_111 = vector.load %arg10[%get3A_109, %get3A_110] : memref<128x640xf32, #tpu.memory_space<vmem>>, vector<128x640xf32>
      %slice3A = vector.extract_strided_slice %get3A_111 {offsets = [0, 512], sizes = [128, 1], strides = [1, 1]} : vector<128x640xf32> to vector<128x1xf32>
      %squeeze3A_112 = vector.shape_cast %slice3A : vector<128x1xf32> to vector<128xf32>
      %add3A_113 = arith.addf %squeeze3A_112, %dot_general3A_107 : vector<128xf32>
      %mul3A_114 = vector.broadcast %reduce_sum3A_8 : f32 to vector<128xf32>
      %mul3A_115 = arith.mulf %squeeze3A_99, %mul3A_114 : vector<128xf32>
      %add3A_116 = arith.addf %add3A_113, %mul3A_115 : vector<128xf32>
      %ge3A = arith.constant 0.000000e+00 : f32
      %ge3A_117 = vector.broadcast %ge3A : f32 to vector<128xf32>
      %ge3A_118 = arith.cmpf oge, %add3A_116, %ge3A_117 : vector<128xf32>
      %mul3A_119 = arith.constant 2.000000e-01 : f32
      %mul3A_120 = vector.broadcast %mul3A_119 : f32 to vector<128xf32>
      %mul3A_121 = arith.mulf %mul3A_120, %add3A_116 : vector<128xf32>
      %select_n3A_122 = arith.select %ge3A_118, %add3A_116, %mul3A_121 : vector<128xi1>, vector<128xf32>
      %exp3A = math.exp %select_n3A_122 : vector<128xf32>
      %transpose3A = tpu.transpose %convert_element_type3A_106, [1, 0] : vector<128x128xf32> -> vector<128x128xf32>
      %broadcast_in_dim3A_123 = vector.shape_cast %exp3A : vector<128xf32> to vector<128x1xf32>
      %mul3A_124 = vector.broadcast %broadcast_in_dim3A_123 : vector<128x1xf32> to vector<128x640xf32>
      %mul3A_125 = arith.mulf %get3A_111, %mul3A_124 : vector<128x640xf32>
      %slice3A_126 = vector.extract_strided_slice %mul3A_125 {offsets = [0, 0], sizes = [128, 512], strides = [1, 1]} : vector<128x640xf32> to vector<128x512xf32>
      %dot_general3A_127 = arith.constant dense<0.000000e+00> : vector<128x512xf32>
      %dot_general3A_128 = tpu.matmul %transpose3A, %slice3A_126, %dot_general3A_127 {dimension_numbers = #tpu.dot_dimension_numbers<[1], [0], [0], [1], [0, 0, 1, 1], [], []>, transpose_lhs_hint = false} : vector<128x128xf32>, vector<128x512xf32>, vector<128x512xf32> -> vector<128x512xf32>
      %add3A_129 = arith.addf %while3A_88, %dot_general3A_128 : vector<128x512xf32>
      %transpose3A_130 = tpu.transpose %convert_element_type3A_106, [1, 0] : vector<128x128xf32> -> vector<128x128xf32>
      %broadcast_in_dim3A_131 = vector.shape_cast %exp3A : vector<128xf32> to vector<128x1xf32>
      %dot_general3A_132 = arith.constant dense<0.000000e+00> : vector<128x1xf32>
      %dot_general3A_133 = tpu.matmul %transpose3A_130, %broadcast_in_dim3A_131, %dot_general3A_132 {dimension_numbers = #tpu.dot_dimension_numbers<[1], [0], [0], [1], [0, 0, 1, 1], [], []>, transpose_lhs_hint = false} : vector<128x128xf32>, vector<128x1xf32>, vector<128x1xf32> -> vector<128x1xf32>
      %add3A_134 = arith.addf %while3A_89, %dot_general3A_133 : vector<128x1xf32>
      scf.yield %add3A_129, %add3A_134 : vector<128x512xf32>, vector<128x1xf32>
    }
    %add3A_73 = arith.constant 1.000000e-16 : f32
    %add3A_74 = vector.broadcast %add3A_73 : f32 to vector<128x1xf32>
    %add3A_75 = arith.addf %while3A_72#1, %add3A_74 : vector<128x1xf32>
    %div3A_76 = vector.broadcast %add3A_75 : vector<128x1xf32> to vector<128x512xf32>
    %div3A_77 = arith.divf %while3A_72#0, %div3A_76 : vector<128x512xf32>
    %get3A_78 = arith.constant 0 : index
    %get3A_79 = arith.constant 0 : index
    %get3A_80 = vector.load %arg8[%get3A_78, %get3A_79] : memref<1x512xf32, #tpu.memory_space<vmem>>, vector<1x512xf32>
    %add3A_81 = vector.broadcast %get3A_80 : vector<1x512xf32> to vector<128x512xf32>
    %add3A_82 = arith.addf %div3A_77, %add3A_81 : vector<128x512xf32>
    %max3A = arith.constant 0.000000e+00 : f32
    %max3A_83 = vector.broadcast %max3A : f32 to vector<128x512xf32>
    %max3A_84 = arith.maximumf %add3A_82, %max3A_83 : vector<128x512xf32>
    %swap3A = arith.constant 0 : index
    %swap3A_85 = arith.constant 0 : index
    %swap3A_86 = vector.load %arg9[%swap3A, %swap3A_85] : memref<128x512xf32, #tpu.memory_space<vmem>>, vector<128x512xf32>
    tpu.vector_store %arg9[%swap3A, %swap3A_85], %max3A_84 {strides = array<i32>} : memref<128x512xf32, #tpu.memory_space<vmem>>, vector<128x512xf32>,
    return
  }
  func.func @transform_0(%arg0: i32) -> i32 {
    %c0_i32 = arith.constant 0 : i32
    %c0_i32_0 = arith.constant 0 : i32
    return %c0_i32 : i32
  }
  func.func @transform_2(%arg0: i32) -> (i32, i32, i32) {
    %c0_i32 = arith.constant 0 : i32
    %c0_i32_0 = arith.constant 0 : i32
    %c0_i32_1 = arith.constant 0 : i32
    return %arg0, %c0_i32, %c0_i32_0 : i32, i32, i32
  }
  func.func @transform_3(%arg0: i32) -> (i32, i32) {
    %c0_i32 = arith.constant 0 : i32
    %c0_i32_0 = arith.constant 0 : i32
    %c0_i32_1 = arith.constant 0 : i32
    return %c0_i32, %c0_i32_0 : i32, i32
  }
  func.func @transform_4(%arg0: i32) -> (i32, i32) {
    %c0_i32 = arith.constant 0 : i32
    %c0_i32_0 = arith.constant 0 : i32
    %c0_i32_1 = arith.constant 0 : i32
    return %c0_i32, %c0_i32_0 : i32, i32
  }
  func.func @transform_5(%arg0: i32) -> (i32, i32) {
    %c0_i32 = arith.constant 0 : i32
    %c0_i32_0 = arith.constant 0 : i32
    %c0_i32_1 = arith.constant 0 : i32
    return %c0_i32, %c0_i32_0 : i32, i32
  }
  func.func @transform_6(%arg0: i32) -> (i32, i32) {
    %c0_i32 = arith.constant 0 : i32
    %c0_i32_0 = arith.constant 0 : i32
    %c0_i32_1 = arith.constant 0 : i32
    return %c0_i32, %c0_i32_0 : i32, i32
  }
  func.func @transform_7(%arg0: i32) -> (i32, i32) {
    %c0_i32 = arith.constant 0 : i32
    %c0_i32_0 = arith.constant 0 : i32
    %c0_i32_1 = arith.constant 0 : i32
    return %c0_i32, %c0_i32_0 : i32, i32
  }
  func.func @transform_8(%arg0: i32) -> (i32, i32) {
    %c0_i32 = arith.constant 0 : i32
    %c0_i32_0 = arith.constant 0 : i32
    return %arg0, %c0_i32 : i32, i32
  }
}

module attributes {stable_mosaic.version = 14 : i64} {
  func.func @_mm_body(%arg0: i32, %arg1: memref<1024x512xf32, #tpu.memory_space<vmem>>, %arg2: memref<512x640xf32, #tpu.memory_space<vmem>>, %arg3: memref<1x640xf32, #tpu.memory_space<vmem>>, %arg4: memref<1024x640xf32, #tpu.memory_space<vmem>>) attributes {dimension_semantics = [#tpu.dimension_semantics<arbitrary>], iteration_bounds = array<i64: 10>, scalar_prefetch = 0 : i64, scratch_operands = 0 : i64, tpu.core_type = #tpu.core_type<tc>, window_params = [{transform_indices = @transform_0, window_bounds = array<i64: 1024, 512>}, {pipeline_mode = #tpu.pipeline_mode<synchronous>, transform_indices = @transform_1, window_bounds = array<i64: 512, 640>}, {pipeline_mode = #tpu.pipeline_mode<synchronous>, transform_indices = @transform_2, window_bounds = array<i64: 1, 640>}, {transform_indices = @transform_3, window_bounds = array<i64: 1024, 640>}]} {
    %get3A = arith.constant 0 : index
    %get3A_0 = arith.constant 0 : index
    %get3A_1 = vector.load %arg1[%get3A, %get3A_0] : memref<1024x512xf32, #tpu.memory_space<vmem>>, vector<1024x512xf32>
    %get3A_2 = arith.constant 0 : index
    %get3A_3 = arith.constant 0 : index
    %get3A_4 = vector.load %arg2[%get3A_2, %get3A_3] : memref<512x640xf32, #tpu.memory_space<vmem>>, vector<512x640xf32>
    %dot_general3A = arith.constant dense<0.000000e+00> : vector<1024x640xf32>
    %dot_general3A_5 = tpu.matmul %get3A_1, %get3A_4, %dot_general3A {dimension_numbers = #tpu.dot_dimension_numbers<[1], [0], [0], [1], [0, 0, 1, 1], [], []>, transpose_lhs_hint = false} : vector<1024x512xf32>, vector<512x640xf32>, vector<1024x640xf32> -> vector<1024x640xf32>
    %get3A_6 = arith.constant 0 : index
    %get3A_7 = arith.constant 0 : index
    %get3A_8 = vector.load %arg3[%get3A_6, %get3A_7] : memref<1x640xf32, #tpu.memory_space<vmem>>, vector<1x640xf32>
    %add3A = vector.broadcast %get3A_8 : vector<1x640xf32> to vector<1024x640xf32>
    %add3A_9 = arith.addf %dot_general3A_5, %add3A : vector<1024x640xf32>
    %swap3A = arith.constant 0 : index
    %swap3A_10 = arith.constant 0 : index
    %swap3A_11 = vector.load %arg4[%swap3A, %swap3A_10] : memref<1024x640xf32, #tpu.memory_space<vmem>>, vector<1024x640xf32>
    tpu.vector_store %arg4[%swap3A, %swap3A_10], %add3A_9 {strides = array<i32>} : memref<1024x640xf32, #tpu.memory_space<vmem>>, vector<1024x640xf32>,
    return
  }
  func.func @transform_0(%arg0: i32) -> (i32, i32) {
    %c0_i32 = arith.constant 0 : i32
    %c0_i32_0 = arith.constant 0 : i32
    return %arg0, %c0_i32 : i32, i32
  }
  func.func @transform_1(%arg0: i32) -> (i32, i32) {
    %c0_i32 = arith.constant 0 : i32
    %c0_i32_0 = arith.constant 0 : i32
    %c0_i32_1 = arith.constant 0 : i32
    return %c0_i32, %c0_i32_0 : i32, i32
  }
  func.func @transform_2(%arg0: i32) -> (i32, i32) {
    %c0_i32 = arith.constant 0 : i32
    %c0_i32_0 = arith.constant 0 : i32
    %c0_i32_1 = arith.constant 0 : i32
    return %c0_i32, %c0_i32_0 : i32, i32
  }
  func.func @transform_3(%arg0: i32) -> (i32, i32) {
    %c0_i32 = arith.constant 0 : i32
    %c0_i32_0 = arith.constant 0 : i32
    return %arg0, %c0_i32 : i32, i32
  }
}

module attributes {stable_mosaic.version = 14 : i64} {
  func.func @_gat_body(%arg0: i32, %arg1: memref<81xi32, #tpu.memory_space<smem>>, %arg2: memref<170112x640xf32, #tpu.memory_space<any>>, %arg3: memref<1x1x128xf32, #tpu.memory_space<vmem>>, %arg4: memref<1329x128xi32, #tpu.memory_space<vmem>>, %arg5: memref<1329x128xf32, #tpu.memory_space<vmem>>, %arg6: memref<1x512xf32, #tpu.memory_space<vmem>>, %arg7: memref<1x512xf32, #tpu.memory_space<vmem>>, %arg8: memref<1x512xf32, #tpu.memory_space<vmem>>, %arg9: memref<128x512xf32, #tpu.memory_space<vmem>>, %arg10: memref<128x640xf32, #tpu.memory_space<vmem>>, %arg11: memref<!tpu.dma_semaphore, #tpu.memory_space<semaphore_mem>>) attributes {dimension_semantics = [#tpu.dimension_semantics<arbitrary>], iteration_bounds = array<i64: 80>, scalar_prefetch = 0 : i64, scratch_operands = 2 : i64, tpu.core_type = #tpu.core_type<tc>, window_params = [{transform_indices = @transform_0, window_bounds = array<i64: 81>}, {}, {transform_indices = @transform_2, window_bounds = array<i64: 1, 1, 128>}, {pipeline_mode = #tpu.pipeline_mode<synchronous>, transform_indices = @transform_3, window_bounds = array<i64: 1329, 128>}, {pipeline_mode = #tpu.pipeline_mode<synchronous>, transform_indices = @transform_4, window_bounds = array<i64: 1329, 128>}, {pipeline_mode = #tpu.pipeline_mode<synchronous>, transform_indices = @transform_5, window_bounds = array<i64: 1, 512>}, {pipeline_mode = #tpu.pipeline_mode<synchronous>, transform_indices = @transform_6, window_bounds = array<i64: 1, 512>}, {pipeline_mode = #tpu.pipeline_mode<synchronous>, transform_indices = @transform_7, window_bounds = array<i64: 1, 512>}, {transform_indices = @transform_8, window_bounds = array<i64: 128, 512>}]} {
    %get3A = arith.constant 0 : index
    %get3A_0 = arith.constant 0 : index
    %get3A_1 = vector.load %arg6[%get3A, %get3A_0] : memref<1x512xf32, #tpu.memory_space<vmem>>, vector<1x512xf32>
    %get3A_2 = arith.constant 0 : index
    %get3A_3 = arith.constant 0 : index
    %get3A_4 = vector.load %arg7[%get3A_2, %get3A_3] : memref<1x512xf32, #tpu.memory_space<vmem>>, vector<1x512xf32>
    %mul3A = arith.mulf %get3A_1, %get3A_4 : vector<1x512xf32>
    %reduce_sum3A = vector.shape_cast %mul3A : vector<1x512xf32> to vector<1x1x512xf32>
    %reduce_sum3A_5 = arith.constant dense<0.000000e+00> : vector<1xf32>
    %reduce_sum3A_6 = vector.multi_reduction <add>, %reduce_sum3A, %reduce_sum3A_5 [1, 2] : vector<1x1x512xf32> to vector<1xf32>
    %reduce_sum3A_7 = vector.shape_cast %reduce_sum3A_6 : vector<1xf32> to vector<1x1x1xf32>
    %reduce_sum3A_8 = vector.extract %reduce_sum3A_7[0, 0, 0] : f32 from vector<1x1x1xf32>
    %get3A_9 = arith.constant 0 : index
    %get3A_10 = arith.constant 0 : index
    %get3A_11 = arith.constant 0 : index
    %get3A_12 = vector.load %arg3[%get3A_9, %get3A_10, %get3A_11] : memref<1x1x128xf32, #tpu.memory_space<vmem>>, vector<1x1x128xf32>
    %get3A_13 = vector.shape_cast %get3A_12 : vector<1x1x128xf32> to vector<128xf32>
    %get3A_14 = arith.index_cast %arg0 : i32 to index
    %get3A_15 = memref.load %arg1[%get3A_14] : memref<81xi32, #tpu.memory_space<smem>>
    %jit3A = arith.constant 128 : i32
    %div3A = arith.divsi %get3A_15, %jit3A : i32
    %sign3A = arith.constant 0 : i32
    %sign3A_16 = arith.cmpi sgt, %get3A_15, %sign3A : i32
    %sign3A_17 = arith.extui %sign3A_16 : i1 to i32
    %sign3A_18 = arith.constant 0 : i32
    %sign3A_19 = arith.cmpi slt, %get3A_15, %sign3A_18 : i32
    %sign3A_20 = arith.extui %sign3A_19 : i1 to i32
    %sign3A_21 = arith.subi %sign3A_17, %sign3A_20 : i32
    %sign3A_22 = arith.constant 0 : i32
    %sign3A_23 = arith.cmpi sgt, %jit3A, %sign3A_22 : i32
    %sign3A_24 = arith.extui %sign3A_23 : i1 to i32
    %sign3A_25 = arith.constant 0 : i32
    %sign3A_26 = arith.cmpi slt, %jit3A, %sign3A_25 : i32
    %sign3A_27 = arith.extui %sign3A_26 : i1 to i32
    %sign3A_28 = arith.subi %sign3A_24, %sign3A_27 : i32
    %ne3A = arith.cmpi ne, %sign3A_21, %sign3A_28 : i32
    %rem3A = arith.remsi %get3A_15, %jit3A : i32
    %ne3A_29 = arith.constant 0 : i32
    %ne3A_30 = arith.cmpi ne, %rem3A, %ne3A_29 : i32
    %and3A = arith.andi %ne3A, %ne3A_30 : i1
    %sub3A = arith.constant 1 : i32
    %sub3A_31 = arith.subi %div3A, %sub3A : i32
    %select_n3A = arith.select %and3A, %sub3A_31, %div3A : i32
    %add3A = arith.constant 1 : i32
    %add3A_32 = arith.addi %arg0, %add3A : i32
    %get3A_33 = arith.index_cast %add3A_32 : i32 to index
    %get3A_34 = memref.load %arg1[%get3A_33] : memref<81xi32, #tpu.memory_space<smem>>
    %add3A_35 = arith.constant 127 : i32
    %add3A_36 = arith.addi %get3A_34, %add3A_35 : i32
    %jit3A_37 = arith.constant 128 : i32
    %div3A_38 = arith.divsi %add3A_36, %jit3A_37 : i32
    %sign3A_39 = arith.constant 0 : i32
    %sign3A_40 = arith.cmpi sgt, %add3A_36, %sign3A_39 : i32
    %sign3A_41 = arith.extui %sign3A_40 : i1 to i32
    %sign3A_42 = arith.constant 0 : i32
    %sign3A_43 = arith.cmpi slt, %add3A_36, %sign3A_42 : i32
    %sign3A_44 = arith.extui %sign3A_43 : i1 to i32
    %sign3A_45 = arith.subi %sign3A_41, %sign3A_44 : i32
    %sign3A_46 = arith.constant 0 : i32
    %sign3A_47 = arith.cmpi sgt, %jit3A_37, %sign3A_46 : i32
    %sign3A_48 = arith.extui %sign3A_47 : i1 to i32
    %sign3A_49 = arith.constant 0 : i32
    %sign3A_50 = arith.cmpi slt, %jit3A_37, %sign3A_49 : i32
    %sign3A_51 = arith.extui %sign3A_50 : i1 to i32
    %sign3A_52 = arith.subi %sign3A_48, %sign3A_51 : i32
    %ne3A_53 = arith.cmpi ne, %sign3A_45, %sign3A_52 : i32
    %rem3A_54 = arith.remsi %add3A_36, %jit3A_37 : i32
    %ne3A_55 = arith.constant 0 : i32
    %ne3A_56 = arith.cmpi ne, %rem3A_54, %ne3A_55 : i32
    %and3A_57 = arith.andi %ne3A_53, %ne3A_56 : i1
    %sub3A_58 = arith.constant 1 : i32
    %sub3A_59 = arith.subi %div3A_38, %sub3A_58 : i32
    %select_n3A_60 = arith.select %and3A_57, %sub3A_59, %div3A_38 : i32
    %iota3A = tpu.iota {dimensions = array<i32: 1>} : vector<128x128xi32>
    %broadcast_in_dim3A = arith.constant 0.000000e+00 : f32
    %broadcast_in_dim3A_61 = vector.broadcast %broadcast_in_dim3A : f32 to vector<128x512xf32>
    %broadcast_in_dim3A_62 = arith.constant 0.000000e+00 : f32
    %broadcast_in_dim3A_63 = vector.broadcast %broadcast_in_dim3A_62 : f32 to vector<128x1xf32>
    %while3A = arith.subi %select_n3A_60, %select_n3A : i32
    %while3A_64 = arith.addi %select_n3A, %while3A : i32
    %while3A_65 = arith.constant 1 : i32
    %while3A_66 = arith.divsi %while3A, %while3A_65 : i32
    %while3A_67 = arith.muli %while3A_66, %while3A_65 : i32
    %while3A_68 = arith.addi %select_n3A, %while3A_67 : i32
    %while3A_69 = arith.constant 1 : i32
    %while3A_70:2 = scf.for %while3A_85 = %select_n3A to %while3A_68 step %while3A_69 iter_args(%while3A_86 = %broadcast_in_dim3A_61, %while3A_87 = %broadcast_in_dim3A_63) -> (vector<128x512xf32>, vector<128x1xf32>)  : i32 {
      %mul3A_88 = arith.constant 128 : i32
      %mul3A_89 = arith.muli %while3A_85, %mul3A_88 : i32
      %dma_start3A = arith.constant 0 : i32
      %dma_start3A_90 = tpu.memref_slice %arg2[%mul3A_89, %dma_start3A] : memref<170112x640xf32, #tpu.memory_space<any>> -> memref<128x640xf32, #tpu.memory_space<any>>
      tpu.enqueue_dma source(%dma_start3A_90 : memref<128x640xf32, #tpu.memory_space<any>>) target(%arg10 : memref<128x640xf32, #tpu.memory_space<vmem>>) target_semaphore(%arg11 : memref<!tpu.dma_semaphore, #tpu.memory_space<semaphore_mem>>)
      %get3A_91 = arith.index_cast %while3A_85 : i32 to index
      %get3A_92 = arith.constant 0 : index
      %get3A_93 = vector.load %arg4[%get3A_91, %get3A_92] : memref<1329x128xi32, #tpu.memory_space<vmem>>, vector<1x128xi32>
      %squeeze3A = vector.shape_cast %get3A_93 : vector<1x128xi32> to vector<128xi32>
      %get3A_94 = arith.index_cast %while3A_85 : i32 to index
      %get3A_95 = arith.constant 0 : index
      %get3A_96 = vector.load %arg5[%get3A_94, %get3A_95] : memref<1329x128xf32, #tpu.memory_space<vmem>>, vector<1x128xf32>
      %squeeze3A_97 = vector.shape_cast %get3A_96 : vector<1x128xf32> to vector<128xf32>
      %mul3A_98 = arith.constant 128 : i32
      %mul3A_99 = arith.muli %arg0, %mul3A_98 : i32
      %sub3A_100 = vector.broadcast %mul3A_99 : i32 to vector<128xi32>
      %sub3A_101 = arith.subi %squeeze3A, %sub3A_100 : vector<128xi32>
      %broadcast_in_dim3A_102 = vector.shape_cast %sub3A_101 : vector<128xi32> to vector<128x1xi32>
      %eq3A = vector.broadcast %broadcast_in_dim3A_102 : vector<128x1xi32> to vector<128x128xi32>
      %eq3A_103 = arith.cmpi eq, %eq3A, %iota3A : vector<128x128xi32>
      %convert_element_type3A = arith.extui %eq3A_103 : vector<128x128xi1> to vector<128x128xi32>
      %convert_element_type3A_104 = arith.sitofp %convert_element_type3A : vector<128x128xi32> to vector<128x128xf32>
      %dot_general3A = arith.constant dense<0.000000e+00> : vector<128xf32>
      %dot_general3A_105 = tpu.matmul %convert_element_type3A_104, %get3A_13, %dot_general3A {dimension_numbers = #tpu.dot_dimension_numbers<[1], [0], [0], [], [0, 0], [], []>, transpose_lhs_hint = false} : vector<128x128xf32>, vector<128xf32>, vector<128xf32> -> vector<128xf32>
      %dma_wait3A = arith.constant 0 : i32
      %dma_wait3A_106 = tpu.memref_slice %arg2[%mul3A_89, %dma_wait3A] : memref<170112x640xf32, #tpu.memory_space<any>> -> memref<128x640xf32, #tpu.memory_space<any>>
      tpu.wait_dma2 semaphore(%arg11 : memref<!tpu.dma_semaphore, #tpu.memory_space<semaphore_mem>>) src(%dma_wait3A_106 : memref<128x640xf32, #tpu.memory_space<any>>) dst(%arg10 : memref<128x640xf32, #tpu.memory_space<vmem>>)
      %get3A_107 = arith.constant 0 : index
      %get3A_108 = arith.constant 0 : index
      %get3A_109 = vector.load %arg10[%get3A_107, %get3A_108] : memref<128x640xf32, #tpu.memory_space<vmem>>, vector<128x640xf32>
      %slice3A = vector.extract_strided_slice %get3A_109 {offsets = [0, 512], sizes = [128, 1], strides = [1, 1]} : vector<128x640xf32> to vector<128x1xf32>
      %squeeze3A_110 = vector.shape_cast %slice3A : vector<128x1xf32> to vector<128xf32>
      %add3A_111 = arith.addf %squeeze3A_110, %dot_general3A_105 : vector<128xf32>
      %mul3A_112 = vector.broadcast %reduce_sum3A_8 : f32 to vector<128xf32>
      %mul3A_113 = arith.mulf %squeeze3A_97, %mul3A_112 : vector<128xf32>
      %add3A_114 = arith.addf %add3A_111, %mul3A_113 : vector<128xf32>
      %ge3A = arith.constant 0.000000e+00 : f32
      %ge3A_115 = vector.broadcast %ge3A : f32 to vector<128xf32>
      %ge3A_116 = arith.cmpf oge, %add3A_114, %ge3A_115 : vector<128xf32>
      %mul3A_117 = arith.constant 2.000000e-01 : f32
      %mul3A_118 = vector.broadcast %mul3A_117 : f32 to vector<128xf32>
      %mul3A_119 = arith.mulf %mul3A_118, %add3A_114 : vector<128xf32>
      %select_n3A_120 = arith.select %ge3A_116, %add3A_114, %mul3A_119 : vector<128xi1>, vector<128xf32>
      %exp3A = math.exp %select_n3A_120 : vector<128xf32>
      %transpose3A = tpu.transpose %convert_element_type3A_104, [1, 0] : vector<128x128xf32> -> vector<128x128xf32>
      %broadcast_in_dim3A_121 = vector.shape_cast %exp3A : vector<128xf32> to vector<128x1xf32>
      %mul3A_122 = vector.broadcast %broadcast_in_dim3A_121 : vector<128x1xf32> to vector<128x640xf32>
      %mul3A_123 = arith.mulf %get3A_109, %mul3A_122 : vector<128x640xf32>
      %slice3A_124 = vector.extract_strided_slice %mul3A_123 {offsets = [0, 0], sizes = [128, 512], strides = [1, 1]} : vector<128x640xf32> to vector<128x512xf32>
      %dot_general3A_125 = arith.constant dense<0.000000e+00> : vector<128x512xf32>
      %dot_general3A_126 = tpu.matmul %transpose3A, %slice3A_124, %dot_general3A_125 {dimension_numbers = #tpu.dot_dimension_numbers<[1], [0], [0], [1], [0, 0, 1, 1], [], []>, transpose_lhs_hint = false} : vector<128x128xf32>, vector<128x512xf32>, vector<128x512xf32> -> vector<128x512xf32>
      %add3A_127 = arith.addf %while3A_86, %dot_general3A_126 : vector<128x512xf32>
      %transpose3A_128 = tpu.transpose %convert_element_type3A_104, [1, 0] : vector<128x128xf32> -> vector<128x128xf32>
      %broadcast_in_dim3A_129 = vector.shape_cast %exp3A : vector<128xf32> to vector<128x1xf32>
      %dot_general3A_130 = arith.constant dense<0.000000e+00> : vector<128x1xf32>
      %dot_general3A_131 = tpu.matmul %transpose3A_128, %broadcast_in_dim3A_129, %dot_general3A_130 {dimension_numbers = #tpu.dot_dimension_numbers<[1], [0], [0], [1], [0, 0, 1, 1], [], []>, transpose_lhs_hint = false} : vector<128x128xf32>, vector<128x1xf32>, vector<128x1xf32> -> vector<128x1xf32>
      %add3A_132 = arith.addf %while3A_87, %dot_general3A_131 : vector<128x1xf32>
      scf.yield %add3A_127, %add3A_132 : vector<128x512xf32>, vector<128x1xf32>
    }
    %while3A_71 = arith.constant 1 : i32
    %while3A_72:2 = scf.for %while3A_85 = %while3A_68 to %while3A_64 step %while3A_71 iter_args(%while3A_86 = %while3A_70#0, %while3A_87 = %while3A_70#1) -> (vector<128x512xf32>, vector<128x1xf32>)  : i32 {
      %mul3A_88 = arith.constant 128 : i32
      %mul3A_89 = arith.muli %while3A_85, %mul3A_88 : i32
      %dma_start3A = arith.constant 0 : i32
      %dma_start3A_90 = tpu.memref_slice %arg2[%mul3A_89, %dma_start3A] : memref<170112x640xf32, #tpu.memory_space<any>> -> memref<128x640xf32, #tpu.memory_space<any>>
      tpu.enqueue_dma source(%dma_start3A_90 : memref<128x640xf32, #tpu.memory_space<any>>) target(%arg10 : memref<128x640xf32, #tpu.memory_space<vmem>>) target_semaphore(%arg11 : memref<!tpu.dma_semaphore, #tpu.memory_space<semaphore_mem>>)
      %get3A_91 = arith.index_cast %while3A_85 : i32 to index
      %get3A_92 = arith.constant 0 : index
      %get3A_93 = vector.load %arg4[%get3A_91, %get3A_92] : memref<1329x128xi32, #tpu.memory_space<vmem>>, vector<1x128xi32>
      %squeeze3A = vector.shape_cast %get3A_93 : vector<1x128xi32> to vector<128xi32>
      %get3A_94 = arith.index_cast %while3A_85 : i32 to index
      %get3A_95 = arith.constant 0 : index
      %get3A_96 = vector.load %arg5[%get3A_94, %get3A_95] : memref<1329x128xf32, #tpu.memory_space<vmem>>, vector<1x128xf32>
      %squeeze3A_97 = vector.shape_cast %get3A_96 : vector<1x128xf32> to vector<128xf32>
      %mul3A_98 = arith.constant 128 : i32
      %mul3A_99 = arith.muli %arg0, %mul3A_98 : i32
      %sub3A_100 = vector.broadcast %mul3A_99 : i32 to vector<128xi32>
      %sub3A_101 = arith.subi %squeeze3A, %sub3A_100 : vector<128xi32>
      %broadcast_in_dim3A_102 = vector.shape_cast %sub3A_101 : vector<128xi32> to vector<128x1xi32>
      %eq3A = vector.broadcast %broadcast_in_dim3A_102 : vector<128x1xi32> to vector<128x128xi32>
      %eq3A_103 = arith.cmpi eq, %eq3A, %iota3A : vector<128x128xi32>
      %convert_element_type3A = arith.extui %eq3A_103 : vector<128x128xi1> to vector<128x128xi32>
      %convert_element_type3A_104 = arith.sitofp %convert_element_type3A : vector<128x128xi32> to vector<128x128xf32>
      %dot_general3A = arith.constant dense<0.000000e+00> : vector<128xf32>
      %dot_general3A_105 = tpu.matmul %convert_element_type3A_104, %get3A_13, %dot_general3A {dimension_numbers = #tpu.dot_dimension_numbers<[1], [0], [0], [], [0, 0], [], []>, transpose_lhs_hint = false} : vector<128x128xf32>, vector<128xf32>, vector<128xf32> -> vector<128xf32>
      %dma_wait3A = arith.constant 0 : i32
      %dma_wait3A_106 = tpu.memref_slice %arg2[%mul3A_89, %dma_wait3A] : memref<170112x640xf32, #tpu.memory_space<any>> -> memref<128x640xf32, #tpu.memory_space<any>>
      tpu.wait_dma2 semaphore(%arg11 : memref<!tpu.dma_semaphore, #tpu.memory_space<semaphore_mem>>) src(%dma_wait3A_106 : memref<128x640xf32, #tpu.memory_space<any>>) dst(%arg10 : memref<128x640xf32, #tpu.memory_space<vmem>>)
      %get3A_107 = arith.constant 0 : index
      %get3A_108 = arith.constant 0 : index
      %get3A_109 = vector.load %arg10[%get3A_107, %get3A_108] : memref<128x640xf32, #tpu.memory_space<vmem>>, vector<128x640xf32>
      %slice3A = vector.extract_strided_slice %get3A_109 {offsets = [0, 512], sizes = [128, 1], strides = [1, 1]} : vector<128x640xf32> to vector<128x1xf32>
      %squeeze3A_110 = vector.shape_cast %slice3A : vector<128x1xf32> to vector<128xf32>
      %add3A_111 = arith.addf %squeeze3A_110, %dot_general3A_105 : vector<128xf32>
      %mul3A_112 = vector.broadcast %reduce_sum3A_8 : f32 to vector<128xf32>
      %mul3A_113 = arith.mulf %squeeze3A_97, %mul3A_112 : vector<128xf32>
      %add3A_114 = arith.addf %add3A_111, %mul3A_113 : vector<128xf32>
      %ge3A = arith.constant 0.000000e+00 : f32
      %ge3A_115 = vector.broadcast %ge3A : f32 to vector<128xf32>
      %ge3A_116 = arith.cmpf oge, %add3A_114, %ge3A_115 : vector<128xf32>
      %mul3A_117 = arith.constant 2.000000e-01 : f32
      %mul3A_118 = vector.broadcast %mul3A_117 : f32 to vector<128xf32>
      %mul3A_119 = arith.mulf %mul3A_118, %add3A_114 : vector<128xf32>
      %select_n3A_120 = arith.select %ge3A_116, %add3A_114, %mul3A_119 : vector<128xi1>, vector<128xf32>
      %exp3A = math.exp %select_n3A_120 : vector<128xf32>
      %transpose3A = tpu.transpose %convert_element_type3A_104, [1, 0] : vector<128x128xf32> -> vector<128x128xf32>
      %broadcast_in_dim3A_121 = vector.shape_cast %exp3A : vector<128xf32> to vector<128x1xf32>
      %mul3A_122 = vector.broadcast %broadcast_in_dim3A_121 : vector<128x1xf32> to vector<128x640xf32>
      %mul3A_123 = arith.mulf %get3A_109, %mul3A_122 : vector<128x640xf32>
      %slice3A_124 = vector.extract_strided_slice %mul3A_123 {offsets = [0, 0], sizes = [128, 512], strides = [1, 1]} : vector<128x640xf32> to vector<128x512xf32>
      %dot_general3A_125 = arith.constant dense<0.000000e+00> : vector<128x512xf32>
      %dot_general3A_126 = tpu.matmul %transpose3A, %slice3A_124, %dot_general3A_125 {dimension_numbers = #tpu.dot_dimension_numbers<[1], [0], [0], [1], [0, 0, 1, 1], [], []>, transpose_lhs_hint = false} : vector<128x128xf32>, vector<128x512xf32>, vector<128x512xf32> -> vector<128x512xf32>
      %add3A_127 = arith.addf %while3A_86, %dot_general3A_126 : vector<128x512xf32>
      %transpose3A_128 = tpu.transpose %convert_element_type3A_104, [1, 0] : vector<128x128xf32> -> vector<128x128xf32>
      %broadcast_in_dim3A_129 = vector.shape_cast %exp3A : vector<128xf32> to vector<128x1xf32>
      %dot_general3A_130 = arith.constant dense<0.000000e+00> : vector<128x1xf32>
      %dot_general3A_131 = tpu.matmul %transpose3A_128, %broadcast_in_dim3A_129, %dot_general3A_130 {dimension_numbers = #tpu.dot_dimension_numbers<[1], [0], [0], [1], [0, 0, 1, 1], [], []>, transpose_lhs_hint = false} : vector<128x128xf32>, vector<128x1xf32>, vector<128x1xf32> -> vector<128x1xf32>
      %add3A_132 = arith.addf %while3A_87, %dot_general3A_131 : vector<128x1xf32>
      scf.yield %add3A_127, %add3A_132 : vector<128x512xf32>, vector<128x1xf32>
    }
    %add3A_73 = arith.constant 1.000000e-16 : f32
    %add3A_74 = vector.broadcast %add3A_73 : f32 to vector<128x1xf32>
    %add3A_75 = arith.addf %while3A_72#1, %add3A_74 : vector<128x1xf32>
    %div3A_76 = vector.broadcast %add3A_75 : vector<128x1xf32> to vector<128x512xf32>
    %div3A_77 = arith.divf %while3A_72#0, %div3A_76 : vector<128x512xf32>
    %get3A_78 = arith.constant 0 : index
    %get3A_79 = arith.constant 0 : index
    %get3A_80 = vector.load %arg8[%get3A_78, %get3A_79] : memref<1x512xf32, #tpu.memory_space<vmem>>, vector<1x512xf32>
    %add3A_81 = vector.broadcast %get3A_80 : vector<1x512xf32> to vector<128x512xf32>
    %add3A_82 = arith.addf %div3A_77, %add3A_81 : vector<128x512xf32>
    %swap3A = arith.constant 0 : index
    %swap3A_83 = arith.constant 0 : index
    %swap3A_84 = vector.load %arg9[%swap3A, %swap3A_83] : memref<128x512xf32, #tpu.memory_space<vmem>>, vector<128x512xf32>
    tpu.vector_store %arg9[%swap3A, %swap3A_83], %add3A_82 {strides = array<i32>} : memref<128x512xf32, #tpu.memory_space<vmem>>, vector<128x512xf32>,
    return
  }
  func.func @transform_0(%arg0: i32) -> i32 {
    %c0_i32 = arith.constant 0 : i32
    %c0_i32_0 = arith.constant 0 : i32
    return %c0_i32 : i32
  }
  func.func @transform_2(%arg0: i32) -> (i32, i32, i32) {
    %c0_i32 = arith.constant 0 : i32
    %c0_i32_0 = arith.constant 0 : i32
    %c0_i32_1 = arith.constant 0 : i32
    return %arg0, %c0_i32, %c0_i32_0 : i32, i32, i32
  }
  func.func @transform_3(%arg0: i32) -> (i32, i32) {
    %c0_i32 = arith.constant 0 : i32
    %c0_i32_0 = arith.constant 0 : i32
    %c0_i32_1 = arith.constant 0 : i32
    return %c0_i32, %c0_i32_0 : i32, i32
  }
  func.func @transform_4(%arg0: i32) -> (i32, i32) {
    %c0_i32 = arith.constant 0 : i32
    %c0_i32_0 = arith.constant 0 : i32
    %c0_i32_1 = arith.constant 0 : i32
    return %c0_i32, %c0_i32_0 : i32, i32
  }
  func.func @transform_5(%arg0: i32) -> (i32, i32) {
    %c0_i32 = arith.constant 0 : i32
    %c0_i32_0 = arith.constant 0 : i32
    %c0_i32_1 = arith.constant 0 : i32
    return %c0_i32, %c0_i32_0 : i32, i32
  }
  func.func @transform_6(%arg0: i32) -> (i32, i32) {
    %c0_i32 = arith.constant 0 : i32
    %c0_i32_0 = arith.constant 0 : i32
    %c0_i32_1 = arith.constant 0 : i32
    return %c0_i32, %c0_i32_0 : i32, i32
  }
  func.func @transform_7(%arg0: i32) -> (i32, i32) {
    %c0_i32 = arith.constant 0 : i32
    %c0_i32_0 = arith.constant 0 : i32
    %c0_i32_1 = arith.constant 0 : i32
    return %c0_i32, %c0_i32_0 : i32, i32
  }
  func.func @transform_8(%arg0: i32) -> (i32, i32) {
    %c0_i32 = arith.constant 0 : i32
    %c0_i32_0 = arith.constant 0 : i32
    return %arg0, %c0_i32 : i32, i32
  }
}

module attributes {stable_mosaic.version = 14 : i64} {
  func.func @_mm_body(%arg0: i32, %arg1: memref<1024x512xf32, #tpu.memory_space<vmem>>, %arg2: memref<512x256xf32, #tpu.memory_space<vmem>>, %arg3: memref<1x256xf32, #tpu.memory_space<vmem>>, %arg4: memref<1024x256xf32, #tpu.memory_space<vmem>>) attributes {dimension_semantics = [#tpu.dimension_semantics<arbitrary>], iteration_bounds = array<i64: 10>, scalar_prefetch = 0 : i64, scratch_operands = 0 : i64, tpu.core_type = #tpu.core_type<tc>, window_params = [{transform_indices = @transform_0, window_bounds = array<i64: 1024, 512>}, {pipeline_mode = #tpu.pipeline_mode<synchronous>, transform_indices = @transform_1, window_bounds = array<i64: 512, 256>}, {pipeline_mode = #tpu.pipeline_mode<synchronous>, transform_indices = @transform_2, window_bounds = array<i64: 1, 256>}, {transform_indices = @transform_3, window_bounds = array<i64: 1024, 256>}]} {
    %get3A = arith.constant 0 : index
    %get3A_0 = arith.constant 0 : index
    %get3A_1 = vector.load %arg1[%get3A, %get3A_0] : memref<1024x512xf32, #tpu.memory_space<vmem>>, vector<1024x512xf32>
    %get3A_2 = arith.constant 0 : index
    %get3A_3 = arith.constant 0 : index
    %get3A_4 = vector.load %arg2[%get3A_2, %get3A_3] : memref<512x256xf32, #tpu.memory_space<vmem>>, vector<512x256xf32>
    %dot_general3A = arith.constant dense<0.000000e+00> : vector<1024x256xf32>
    %dot_general3A_5 = tpu.matmul %get3A_1, %get3A_4, %dot_general3A {dimension_numbers = #tpu.dot_dimension_numbers<[1], [0], [0], [1], [0, 0, 1, 1], [], []>, transpose_lhs_hint = false} : vector<1024x512xf32>, vector<512x256xf32>, vector<1024x256xf32> -> vector<1024x256xf32>
    %get3A_6 = arith.constant 0 : index
    %get3A_7 = arith.constant 0 : index
    %get3A_8 = vector.load %arg3[%get3A_6, %get3A_7] : memref<1x256xf32, #tpu.memory_space<vmem>>, vector<1x256xf32>
    %add3A = vector.broadcast %get3A_8 : vector<1x256xf32> to vector<1024x256xf32>
    %add3A_9 = arith.addf %dot_general3A_5, %add3A : vector<1024x256xf32>
    %swap3A = arith.constant 0 : index
    %swap3A_10 = arith.constant 0 : index
    %swap3A_11 = vector.load %arg4[%swap3A, %swap3A_10] : memref<1024x256xf32, #tpu.memory_space<vmem>>, vector<1024x256xf32>
    tpu.vector_store %arg4[%swap3A, %swap3A_10], %add3A_9 {strides = array<i32>} : memref<1024x256xf32, #tpu.memory_space<vmem>>, vector<1024x256xf32>,
    return
  }
  func.func @transform_0(%arg0: i32) -> (i32, i32) {
    %c0_i32 = arith.constant 0 : i32
    %c0_i32_0 = arith.constant 0 : i32
    return %arg0, %c0_i32 : i32, i32
  }
  func.func @transform_1(%arg0: i32) -> (i32, i32) {
    %c0_i32 = arith.constant 0 : i32
    %c0_i32_0 = arith.constant 0 : i32
    %c0_i32_1 = arith.constant 0 : i32
    return %c0_i32, %c0_i32_0 : i32, i32
  }
  func.func @transform_2(%arg0: i32) -> (i32, i32) {
    %c0_i32 = arith.constant 0 : i32
    %c0_i32_0 = arith.constant 0 : i32
    %c0_i32_1 = arith.constant 0 : i32
    return %c0_i32, %c0_i32_0 : i32, i32
  }
  func.func @transform_3(%arg0: i32) -> (i32, i32) {
    %c0_i32 = arith.constant 0 : i32
    %c0_i32_0 = arith.constant 0 : i32
    return %arg0, %c0_i32 : i32, i32
  }
}

</mosaic_0001>

<sc_bundles>
// kernel: gather_offload_async_start.1
scs
__scs_entry_jumppad:
0x0: {  	(pc) =	sbr.rel $0x88, $3  }
0x1: {  	(tag) =	ssettag $0x0;
	lr =	simm.s32 $0x1  }
0x2: {  	[smem:$0x3F90] =	sst lr;
	_ =	strace $0xD0000000  }
0x3: {  	_ = 	snop  }
0x4: {  	_ = 	snop  }
0x5: {  	_ = 	snop  }
0x6: {  	_ = 	snop  }
0x7: {  	_ = 	snop  }
__scs_overlays_trampoline_lowered:
0x8: {  	[smem:$0x3F9F] =	sst s0  }
0x9: {  	[smem:$0x3FA0] =	sst s1  }
0xa: {  	[smem:$0x3FA1] =	sst s2  }
0xb: {  	[smem:$0x3FA2] =	sst s3  }
0xc: {  	[smem:$0x3FA3] =	sst s4  }
0xd: {  	[smem:$0x3FA4] =	sst s5  }
0xe: {  	[smem:$0x3FA5] =	sst s6  }
0xf: {  	[smem:$0x3FA6] =	sst s7  }
0x10: {  	[smem:$0x3FA7] =	sst s8  }
0x11: {  	[smem:$0x3FA8] =	sst s9;
	s0 =	simm.s32 @!p0 $0x0  }
0x12: {  	s1 =	sld [smem:$0x3F8E];
	s0 =	simm.s32 @p0 $0x1  }
0x13: {  	[smem:$0x3FA9] =	sst s0;
	s0 =	simm.s32 @!p1 $0x0  }
0x14: {  	s2 =	sld [smem:$0x3F8D];
	s0 =	simm.s32 @p1 $0x1  }
0x15: {  	[smem:$0x3FAA] =	sst s0;
	s0 =	simm.s32 @!p2 $0x0  }
0x16: {  	s3 =	sld [smem:$0x3FDB];
	s0 =	simm.s32 @p2 $0x1  }
0x17: {  	s4 =	simm.s32 $0x1BF5;
	[smem:$0x3FAC] =	sst s0  }
0x18: {  	s0 =	sld [smem:$0x3F8F];
	_ =	swait.ge [sflag:s4], $0x0  }
0x19: {  	s7 =	sld [smem:$0x3F90]  }
0x1a: {  	s8 =	sadd.s32 $0xFFFFE003, lr  }
0x1b: {  	s9 =	sadd.s32 $0xFFFFFEF7, lr;
	s5 =	simm.s32 $0xFFFFFFFF;
	p2 =	slt.u32 s8, $0xFFFFF086  }
0x1c: {  	p1 =	slt.u32 s9, $0xF7A;
	s5 =	simm.s32 @!p2 $0x0  }
0x1d: {  	s5 =	simm.s32 @p1 $0x1;
	p0 =	seq.s32 s7, s2  }
0x1e: {  	s7 =	smul.u32 @!p0 $0xF7A, s2;
	p2 =	seq.s32 @!p0 s5, $0x0  }
0x1f: {  	s9 =	smul.u32 $0xF7A, s1;
	s8 =	simm.s32 @!p0 $0x1BF5;
	p2 =	por !p2, p0  }
0x20: {  	[sflag:s8] =	ssyncset.s32 @!p0 $0xFFFFF086;
	s6 =	sadd.s32 @!p0 s3, s7;
	s7 =	simm.s32 @!p0 $0x108  }
0x21: {  	s3 =	sadd.s32 s3, s9;
	s6 =	sadd.s32 @!p0 $0x88, s6;
	s7 =	simm.s32 @p2 $0x1082  }
0x22: {  	[simem:s7], [sflag:s8] =	dma.local @!p0 [hbm:s6], $0xF7A  }
0x23: {  	s9 =	sor.u32 $0xD0000000, s2;
	s6 =	simm.s32 $0x108;
	_ =	swait.ge @!p0 [sflag:s8], $0x0  }
0x24: {  	s3 =	sadd.s32 $0x88, s3;
	s6 =	simm.s32 @!p1 $0x1082;
	[sflag:s4] =	ssyncset.s32 $0xFFFFF086  }
0x25: {  	[simem:s6], [sflag:s4] =	dma.local [hbm:s3], $0xF7A  }
0x26: {  	[smem:$0x3F90] =	sst s1;
	(tag) =	ssettag s2;
	_ =	strace s9  }
0x27: {  	s1 =	sld [smem:$0x3FA0]  }
0x28: {  	s2 =	sld [smem:$0x3FA1]  }
0x29: {  	s4 =	sld [smem:$0x3FA3]  }
0x2a: {  	p0 =	seq.s32 s5, $0x0;
	s5 =	sld [smem:$0x3FA4]  }
0x2b: {  	s6 =	sld [smem:$0x3FA5]  }
0x2c: {  	s7 =	sld [smem:$0x3FA6]  }
0x2d: {  	s3 =	simm.s32 $0x108;
	s8 =	sld [smem:$0x3FA7]  }
0x2e: {  	s3 =	simm.s32 @!p0 $0x1082;
	s9 =	sld [smem:$0x3FA8]  }
0x2f: {  	lr =	sadd.s32 s0, s3;
	s0 =	sld [smem:$0x3F9F]  }
0x30: {  	s3 =	sld [smem:$0x3FA2]  }
0x31: {  	[smem:$0x3FAB] =	sst s10  }
0x32: {  	s10 =	sld [smem:$0x3FA9];
	_ =	sdelay $0x3  }
0x33: {  	p0 =	seq.s32 s10, $0x1;
	s10 =	sld [smem:$0x3FAB];
	_ =	sdelay $0x3  }
0x34: {  	[smem:$0x3FAB] =	sst s10  }
0x35: {  	s10 =	sld [smem:$0x3FAA];
	_ =	sdelay $0x3  }
0x36: {  	p1 =	seq.s32 s10, $0x1;
	s10 =	sld [smem:$0x3FAB];
	_ =	sdelay $0x3  }
0x37: {  	[smem:$0x3FAB] =	sst s10  }
0x38: {  	s10 =	sld [smem:$0x3FAC]  }
0x39: {  	_ = 	snop;
	(pc) =	sbr.ind lr, $3  }
0x3a: {  	_ = 	snop  }
0x3b: {  	_ = 	snop  }
0x3c: {  	p2 =	seq.s32 s10, $0x1;
	s10 =	sld [smem:$0x3FAB]  }
0x3d: {  	_ =	shalt  }
0x3e: {  	_ =	shalt  }
0x3f: {  	_ =	shalt  }
0x40: {  	_ =	shalt  }
0x41: {  	_ =	shalt  }
0x42: {  	_ =	shalt  }
0x43: {  	_ =	shalt  }
0x44: {  	_ =	shalt  }
0x45: {  	_ =	shalt  }
0x46: {  	_ =	shalt  }
0x47: {  	_ =	shalt  }
0x48: {  	_ =	shalt  }
0x49: {  	_ =	shalt  }
0x4a: {  	_ =	shalt  }
0x4b: {  	_ =	shalt  }
0x4c: {  	_ =	shalt  }
0x4d: {  	_ =	shalt  }
0x4e: {  	_ =	shalt  }
0x4f: {  	_ =	shalt  }
0x50: {  	_ =	shalt  }
0x51: {  	_ =	shalt  }
0x52: {  	_ =	shalt  }
0x53: {  	_ =	shalt  }
0x54: {  	_ =	shalt  }
0x55: {  	_ =	shalt  }
0x56: {  	_ =	shalt  }
0x57: {  	_ =	shalt  }
0x58: {  	_ =	shalt  }
0x59: {  	_ =	shalt  }
0x5a: {  	_ =	shalt  }
0x5b: {  	_ =	shalt  }
0x5c: {  	_ =	shalt  }
0x5d: {  	_ =	shalt  }
0x5e: {  	_ =	shalt  }
0x5f: {  	_ =	shalt  }
0x60: {  	_ =	shalt  }
0x61: {  	_ =	shalt  }
0x62: {  	_ =	shalt  }
0x63: {  	_ =	shalt  }
0x64: {  	_ =	shalt  }
0x65: {  	_ =	shalt  }
0x66: {  	_ =	shalt  }
0x67: {  	_ =	shalt  }
0x68: {  	_ =	shalt  }
0x69: {  	_ =	shalt  }
0x6a: {  	_ =	shalt  }
0x6b: {  	_ =	shalt  }
0x6c: {  	_ =	shalt  }
0x6d: {  	_ =	shalt  }
0x6e: {  	_ =	shalt  }
0x6f: {  	_ =	shalt  }
0x70: {  	_ =	shalt  }
0x71: {  	_ =	shalt  }
0x72: {  	_ =	shalt  }
0x73: {  	_ =	shalt  }
0x74: {  	_ =	shalt  }
0x75: {  	_ =	shalt  }
0x76: {  	_ =	shalt  }
0x77: {  	_ =	shalt  }
0x78: {  	_ =	shalt  }
0x79: {  	_ =	shalt  }
0x7a: {  	_ =	shalt  }
0x7b: {  	_ =	shalt  }
0x7c: {  	_ =	shalt  }
0x7d: {  	_ =	shalt  }
0x7e: {  	_ =	shalt  }
0x7f: {  	_ =	shalt  }
0x80: {  	_ =	shalt  }
0x81: {  	_ =	shalt  }
0x82: {  	_ =	shalt  }
0x83: {  	_ =	shalt  }
0x84: {  	_ =	shalt  }
0x85: {  	_ =	shalt  }
0x86: {  	_ =	shalt  }
0x87: {  	_ =	shalt  }
.Lfunc_end0:
.L_simem_size_0:
called_computation.1_lowered:
.L_overlay_start_0:
0x88: {  	s2 =	sld [smem:$0x3FD9]  }
0x89: {  	s3 =	sld [smem:$0x3FFE];
	_ =	sdelay $0x1  }
0x8a: {  	s1 =	srdreg.scid  }
0x8b: {  	s0 =	sand.u32 $0x1, s1  }
0x8c: {  	s16 =	sshll.u32 s0, $0xA;
	s2 =	sadd.s32 s3, s2  }
0x8d: {  	s2 =	sadd.s32 s2, s16  }
0x8e: {  	[smem:$0x3FB7] =	sst s2  }
0x8f: {  	_ = 	snop  }
0x90: {  	(tm) =	ssettm $0x1  }
0x91: {  	s17 =	sld [smem:$0x3FFB];
	_ =	sdelay $0x3  }
0x92: {  	_ =	strace s17  }
0x93: {  	s2 =	sld [smem:$0x3FFC];
	_ =	sdelay $0x3  }
0x94: {  	_ =	strace s2  }
0x95: {  	s2 =	sld [smem:$0x3FFD];
	_ =	sdelay $0x3  }
0x96: {  	_ =	strace s2  }
0x97: {  	_ =	strace $0x8FFFFFFF  }
0x98: {  	s18 =	sld [smem:$0x3FDB];
	_ =	sdelay $0x1  }
0x99: {  	s19 =	simm.s32 $_scs_section_size  }
0x9a: {  	s4 =	simm.s32 $_size__tile_overlayer_lowered;
	s5 =	simm.s32 $_tile_overlayer_lowered  }
0x9b: {  	s22 =	simm.s32 $0x1BFF;
	s21 =	sshll.u32 s5, $0x1;
	s2 =	sadd.s32 s19, s18  }
0x9c: {  	s6 =	simm.s32 $0x0;
	s20 =	sshll.u32 s4, $0x1;
	s4 =	sadd.s32 s21, s2  }
0x9d: {  	[timem:s6], [sflag:s22] =	dma.local [hbm:s4], s20  }
0x9e: {  	_ =	swait.ge [sflag:s22], s20  }
0x9f: {  	s3 =	ssub.s32 $0x0, s20;
	[sflag:s22] =	ssyncset.done $0x0  }
0xa0: {  	[sflag:s22] =	ssyncadd.s32 s3;
	_ =	sdelay $0x1  }
0xa1: {  	s23 =	simm.s32 $0x1B8B  }
0xa2: {  	_ =	swait.ge [sflag:s23], $0x1  }
0xa3: {  	[sflag:s23] =	ssyncset.done $0x0  }
0xa4: {  	s25 =	simm.s32 $0x1B8E;
	s24 =	sld [smem:$0x3FFE];
	[sflag:s23] =	ssyncadd.s32 $0xFFFFFFFF  }
0xa5: {  	s26 =	simm.s32 $execute0_lowered;
	[smem:$0x3FD2] =	sst s25  }
0xa6: {  	s4 =	sshll.u32 s26, $0x1;
	_ =	strace $0x80000046;
	[dreg:$0x1] =	wrdreg $0xFFFFFFFF  }
0xa7: {  	s28 =	simm.s32 $_size_execute0_lowered;
	s2 =	sadd.s32 s2, s4;
	[dreg:$0x0] =	wrdreg $0x0  }
0xa8: {  	s4 =	sshll.u32 s28, $0x1;
	[dreg:$0x2] =	wrdreg s2  }
0xa9: {  	[dreg:$0x3] =	wrdreg s4  }
0xaa: {  	[dreg:$0x4] =	wrdreg $0xC0  }
0xab: {  	_ =	task [dreg:s6], $0x5FFFF  }
0xac: {  	[dreg:$0x1] =	wrdreg $0xFFFFFFFF  }
0xad: {  	[dreg:$0x0] =	wrdreg $0x60  }
0xae: {  	[dreg:$0x2] =	wrdreg s24  }
0xaf: {  	[dreg:$0x3] =	wrdreg $0x9  }
0xb0: {  	_ =	task.clear_ibuf [dreg:s6], $0x4FFFF;
	_ =	strace $0x90000046  }
0xb1: {  	s29 =	simm.s32 $0x9;
	_ =	strace $0x80000048  }
0xb2: {  	_ =	swait.ge [sflag:s29], $0x1  }
0xb3: {  	[sflag:s29] =	ssyncadd.s32 $0xFFFFFFFF  }
0xb4: {  	_ =	strace $0x90000048  }
0xb5: {  	_ =	sfence  }
0xb6: {  	s30 =	sld [smem:$0x0];
	_ =	sdelay $0x2  }
0xb7: {  	s31 =	sshll.u32 s1, $0xD;
	s1 =	sshrl.u32 s1, $0x2  }
0xb8: {  	s3 =	sand.u32 $0x4000, s31;
	s1 =	sadd.s32 s1, s30  }
0xb9: {  	s0 =	sor.u32 s3, s0;
	s1 =	sshll.u32 s1, $0x11  }
0xba: {  	s0 =	sor.u32 s1, s0  }
0xbb: {  	s0 =	sadd.s32 $0x8F2B, s0  }
0xbc: {  	[sflag:s0] =	ssyncadd.remote.s32 $0x1  }
0xbd: {  	_ =	sfence.sel $0xFFFF  }
0xbe: {  	[dreg:$0x0] =	wrdreg $0xFFFFFFFF;
	(pc) =	sbr.abs _section_cstart, $3  }
0xbf: {  	[dreg:$0x1] =	wrdreg $0xFFFFFFFF  }
0xc0: {  	_ =	task.clear_ibuf [dreg:s6], $0x2FFFF;
	_ =	strace $0x9FFFFFFF  }
0xc1: {  	(tm) =	ssettm $0x7FFFFFFF  }
tec
execute0_lowered:
.L_overlay_start_1:
0x0: {  	(tag) =	ssettag $0x1  }
0x1: {  	s0 =	stileid.u32;
	s1 =	srdreg.scid  }
0x2: {  	s1 =	sand.u32 $0x1, s1;
	s2 =	sshll.u32 s0, $0x1  }
0x3: {  	s1 =	sor.u32 s2, s1  }
0x4: {  	s2 =	smul.u32 $0xC0, s1;
	_ =	sdelay $0x1  }
0x5: {  	s6 =	ssub.s32 $0x29880, s2  }
0x6: {  	s8 =	rddreg [dreg:$0x0];
	s5 =	simm.s32 $0x1;
	s7 =	smulhi.u32 $0xAAAAB, s6  }
0x7: {  	s10 =	simm.s32 $0x3;
	s13 =	simm.s32 $0x0;
	s12 =	simm.s32 $0x0  }
0x8: {  	s3 =	sadd.s32 $0x3400, s8;
	s4 =	sadd.s32 $0x8800, s8;
	s9 =	smul.u32 $0x1800, s7  }
.Ltmp0:
0x9: {  	s8 =	sadd.s32 $0xE2E00, s8;
	s1 =	rddreg [dreg:$0x1];
	(pc) =	sbr.rel .LBB2_1-.Ltmp0, $4  }
0xa: {  	_ =	strace $0x80000047;
	p0 =	sne.s32 s6, s9;
	s9 =	simm.s32 $0x1  }
0xb: {  	[sflag:s5] =	ssyncpa.u1 $0x0;
	s6 =	simm.s32 $0x2;
	s9 =	simm.s32 @!p0 $0x0  }
0xc: {  	s11 =	smov.u32 s2;
	[sflag:s6] =	ssyncpa.u1 $0x0;
	s7 =	sadd.s32 s9, s7  }
0xd: {  	vm0 =	vmmov $0xffff;
	[sflag:s10] =	ssyncpa.u1 $0x0;
	s10 =	simm.s32 $0x0;
	s9 =	sadd.s32 $0x1, s7  }
.LBB2_4:
0xe: {  	v2 =	vnsel vm1, $0x0, v2  }
0xf: {  	vm1 =	vgt.s32 v0, $0x0;
	v2 =	vmin.u32 v2, $0x2987F  }
0x10: {  	v0 =	vnsel vm1, $0x0, v0  }
0x11: {  	v0 =	vmin.u32 v0, $0x2987F  }
0x12: {  	[tilespmem:s18], [sflag:$0x1] =	stream.indirect_vreg.gather [hbm4b:s3+s10], $0x1, v1, vm0, $0x4038;
	[tilespmem:$0x300] =	vst v63  }
0x13: {  	(ifvalue) =	ssetifvalue $0x7FFFFFFF  }
0x14: {  	[tilespmem:s15], [sflag:$0x1] =	stream.indirect_vreg.gather [hbm4b:s3+s10], $0x1, v2, vm0, $0x4038;
	[tilespmem:$0x300] =	vst v63  }
0x15: {  	s29 =	sadd.s32 $0x10, s15;
	(ifvalue) =	ssetifvalue $0x7FFFFFFF  }
0x16: {  	[tilespmem:s29], [sflag:$0x1] =	stream.indirect_vreg.gather [hbm4b:s3+s10], $0x1, v0, vm0, $0x4038;
	[tilespmem:$0x300] =	vst v63  }
0x17: {  	_ =	swait.ge [sflag:s5], $0xC0  }
0x18: {  	s30 =	sshrl.u32 s13, $0x3;
	[sflag:s5] =	ssyncset.done $0x0  }
0x19: {  	s31 =	sand.u32 $0x7, s13;
	s15 =	sadd.s32 s8, s30;
	[sflag:s5] =	ssyncadd.s32 $0xFFFFFF40  }
0x1a: {  	[hbm4b:s15+s31] =	stream.linear.scatter [tilespmem:s14], [sflag:$0x3], $0xC0, $0x38;
	[tilespmem:$0x300] =	vst v63  }
.LBB2_5:
0x1b: {  	s15 =	sadd.s32 $0x1800, s11  }
0x1c: {  	p1 =	sgt.s32 s15, $0x2987F  }
0x1d: {  	s15 =	smov.u32 @p1 s2;
	p1 =	sne.s32 s12, s9  }
.Ltmp1:
0x1e: {  	p0 =	slt.u32 s12, $0x2;
	(pc) =	sbr.rel @!p1 .LBB2_6-.Ltmp1, $4  }
0x1f: {  	s14 =	simm.s32 @!p0 $0x3  }
0x20: {  	_ =	swait.ge @!p0 [sflag:s14], $0xC0  }
0x21: {  	s16 =	sadd.s32 $0x1, s12;
	s13 =	smov.u32 s11;
	[sflag:s14] =	ssyncset.done @!p0 $0x0  }
0x22: {  	s12 =	smov.u32 s16;
	s11 =	smov.u32 s15;
	[sflag:s14] =	ssyncadd.s32 @!p0 $0xFFFFFF40  }
.LBB2_1:
0x23: {  	p0 =	sge.u32 s12, s7  }
0x24: {  	s14 =	sxor.u32 @!p0 $0xFFFFFFFF, s12  }
0x25: {  	s14 =	sand.u32 @!p0 $0x1, s14  }
0x26: {  	s14 =	smul.u32 @!p0 $0x300, s14  }
0x27: {  	s31 =	sadd.s32 $0xFFFFFFFF, s12;
	s15 =	sshrl.u32 @!p0 s11, $0x3  }
0x28: {  	s16 =	sand.u32 @!p0 $0x7, s11;
	s15 =	sadd.s32 @!p0 s4, s15;
	s14 =	sshrl.u32 @!p0 s14, $0x2  }
0x29: {  	[tilespmem:s14], [sflag:$0x2] =	stream.linear.gather @!p0 [hbm4b:s15+s16], $0xC0, $0x38;
	[tilespmem:$0x300] =	vst v63  }
0x2a: {  	p0 =	sge.u32 s31, s7  }
.Ltmp2:
0x2b: {  	_ = 	snop;
	(pc) =	sbr.rel @p0 .LBB2_5-.Ltmp2, $1  }
0x2c: {  	_ =	sdelay $0x3  }
0x2d: {  	s14 =	sand.u32 $0x1, s12  }
0x2e: {  	_ =	swait.ge [sflag:s6], $0xC0;
	p0 =	seq.s32 s14, $0x1;
	s14 =	simm.s32 $0xC0  }
0x2f: {  	[sflag:s6] =	ssyncset.done $0x0;
	s14 =	simm.s32 @!p0 $0x0  }
0x30: {  	[sflag:s6] =	ssyncadd.s32 $0xFFFFFF40;
	(ifvalue) =	ssetifvalue $0x7FFFFFFF;
	v0 =	vld.msk [tilespmem:s14+$0x0 ss:$0x1], $0xffff;
	_ =	sdelay $0x4  }
0x31: {  	s15 =	sadd.s32 $0x10, s14;
	vm1 =	vgt.s32 v0, $0x0  }
0x32: {  	v2 =	vld.msk [tilespmem:s15+$0x0 ss:$0x1], $0xffff;
	v1 =	vnsel vm1, $0x0, v0  }
0x33: {  	v1 =	vmin.u32 v1, $0x2987F;
	_ =	sdelay $0x2  }
0x34: {  	s17 =	simm.s32 $0x20;
	s14 =	sadd.s32 $0x180, s14;
	s16 =	sadd.s32 $0x10, s15  }
0x35: {  	s15 =	sadd.s32 $0x10, s14;
	s18 =	smov.u32 s14;
	v0 =	vld.msk [tilespmem:s16+$0x0 ss:$0x1], $0xffff;
	vm1 =	vgt.s32 v2, $0x0;
	(ifvalue) =	ssetifvalue $0x7FFFFFFF  }
.LBB2_3:
0x36: {  	[tilespmem:s18], [sflag:$0x1] =	stream.indirect_vreg.gather [hbm4b:s3+s10], $0x1, v1, vm0, $0x4038;
	[tilespmem:$0x300] =	vst v63  }
0x37: {  	s17 =	sadd.s32 $0x10, s17  }
0x38: {  	v2 =	vnsel vm1, $0x0, v2;
	p0 =	slt.u32 s17, $0xB0  }
.Ltmp3:
0x39: {  	s18 =	smov.u32 s15;
	v1 =	vmin.u32 v2, $0x2987F;
	(pc) =	sbr.rel @p0 .LBB2_3-.Ltmp3, $3  }
0x3a: {  	_ =	sdelay $0x1  }
0x3b: {  	s16 =	sadd.s32 $0x10, s16  }
0x3c: {  	vm1 =	vgt.s32 v0, $0x0;
	s15 =	sadd.s32 $0x10, s15;
	v2 =	vmov v0;
	(ifvalue) =	ssetifvalue $0x7FFFFFFF;
	v0 =	vld.msk [tilespmem:s16+$0x0 ss:$0x1], $0xffff  }
.Ltmp4:
0x3d: {  	_ = 	snop;
	(pc) =	sbr.rel .LBB2_4-.Ltmp4, $1  }
0x3e: {  	_ =	sdelay $0x3  }
.LBB2_6:
0x3f: {  	_ =	sfence.sel $0x180000  }
0x40: {  	s2 =	simm.s32 $0x2;
	[bflag:$0x0] =	sbarrier.arrive $0xFFFF  }
0x41: {  	s30 =	simm.s32 $0x3;
	[sflag:s2] =	ssyncpa.u1 $0x1  }
0x42: {  	s31 =	simm.s32 $0x1;
	[sflag:s30] =	ssyncpa.u1 $0x1  }
0x43: {  	[sflag:s31] =	ssyncpa.u1 $0x1  }
0x44: {  	p0 =	sne.s32 s0, $0x0;
	_ =	strace $0x90000047  }
0x45: {  	s0 =	sadd.s32 @!p0 $0x100000, s1;
	[bflag:$0x2] =	sbarrier.arrive $0xFFFF  }
0x46: {  	[sflag:s0] =	ssyncadd.tile.s32 @!p0 $0x1;
	_ =	shalt  }
.Lfunc_end2:
_tile_overlayer_lowered:
.L_overlay_start_2:
0x47: {  	(tag) =	ssettag $0x2  }
0x48: {  	s0 =	rddreg [dreg:$0x0];
	s2 =	stileid.u32  }
0x49: {  	s1 =	rddreg [dreg:$0x1];
	p0 =	sne.s32 s2, $0x0  }
0x4a: {  	s3 =	rddreg [dreg:$0x2];
	[bflag:$0x3] =	sbarrier.arrive $0xFFFF;
	s2 =	simm.s32 @!p0 $0x1C01  }
0x4b: {  	[timem:s3], [sflag:s2] =	dma.local @!p0 [hbm:s0], s1  }
0x4c: {  	s0 =	simm.s32 @!p0 $0x1  }
0x4d: {  	_ =	swait.ge @!p0 [sflag:s0], s1  }
0x4e: {  	s1 =	ssub.s32 @!p0 $0x0, s1;
	[sflag:s0] =	ssyncset.done @!p0 $0x0  }
0x4f: {  	[sflag:s0] =	ssyncadd.s32 @!p0 s1  }
0x50: {  	[bflag:$0x3] =	sbarrier.arrive $0xFFFF  }
0x51: {  	_ =	shalt  }

// kernel: gather_offload_async_start.2
scs
__scs_entry_jumppad:
0x0: {  	(pc) =	sbr.rel $0x88, $3  }
0x1: {  	(tag) =	ssettag $0x0;
	lr =	simm.s32 $0x1  }
0x2: {  	[smem:$0x3F90] =	sst lr;
	_ =	strace $0xD0000000  }
0x3: {  	_ = 	snop  }
0x4: {  	_ = 	snop  }
0x5: {  	_ = 	snop  }
0x6: {  	_ = 	snop  }
0x7: {  	_ = 	snop  }
__scs_overlays_trampoline_lowered:
0x8: {  	[smem:$0x3F9F] =	sst s0  }
0x9: {  	[smem:$0x3FA0] =	sst s1  }
0xa: {  	[smem:$0x3FA1] =	sst s2  }
0xb: {  	[smem:$0x3FA2] =	sst s3  }
0xc: {  	[smem:$0x3FA3] =	sst s4  }
0xd: {  	[smem:$0x3FA4] =	sst s5  }
0xe: {  	[smem:$0x3FA5] =	sst s6  }
0xf: {  	[smem:$0x3FA6] =	sst s7  }
0x10: {  	[smem:$0x3FA7] =	sst s8  }
0x11: {  	[smem:$0x3FA8] =	sst s9;
	s0 =	simm.s32 @!p0 $0x0  }
0x12: {  	s1 =	sld [smem:$0x3F8E];
	s0 =	simm.s32 @p0 $0x1  }
0x13: {  	[smem:$0x3FA9] =	sst s0;
	s0 =	simm.s32 @!p1 $0x0  }
0x14: {  	s2 =	sld [smem:$0x3F8D];
	s0 =	simm.s32 @p1 $0x1  }
0x15: {  	[smem:$0x3FAA] =	sst s0;
	s0 =	simm.s32 @!p2 $0x0  }
0x16: {  	s3 =	sld [smem:$0x3FDB];
	s0 =	simm.s32 @p2 $0x1  }
0x17: {  	s4 =	simm.s32 $0x1BF5;
	[smem:$0x3FAC] =	sst s0  }
0x18: {  	s0 =	sld [smem:$0x3F8F];
	_ =	swait.ge [sflag:s4], $0x0  }
0x19: {  	s7 =	sld [smem:$0x3F90]  }
0x1a: {  	s8 =	sadd.s32 $0xFFFFE003, lr  }
0x1b: {  	s9 =	sadd.s32 $0xFFFFFEF7, lr;
	s5 =	simm.s32 $0xFFFFFFFF;
	p2 =	slt.u32 s8, $0xFFFFF086  }
0x1c: {  	p1 =	slt.u32 s9, $0xF7A;
	s5 =	simm.s32 @!p2 $0x0  }
0x1d: {  	s5 =	simm.s32 @p1 $0x1;
	p0 =	seq.s32 s7, s2  }
0x1e: {  	s7 =	smul.u32 @!p0 $0xF7A, s2;
	p2 =	seq.s32 @!p0 s5, $0x0  }
0x1f: {  	s9 =	smul.u32 $0xF7A, s1;
	s8 =	simm.s32 @!p0 $0x1BF5;
	p2 =	por !p2, p0  }
0x20: {  	[sflag:s8] =	ssyncset.s32 @!p0 $0xFFFFF086;
	s6 =	sadd.s32 @!p0 s3, s7;
	s7 =	simm.s32 @!p0 $0x108  }
0x21: {  	s3 =	sadd.s32 s3, s9;
	s6 =	sadd.s32 @!p0 $0x88, s6;
	s7 =	simm.s32 @p2 $0x1082  }
0x22: {  	[simem:s7], [sflag:s8] =	dma.local @!p0 [hbm:s6], $0xF7A  }
0x23: {  	s9 =	sor.u32 $0xD0000000, s2;
	s6 =	simm.s32 $0x108;
	_ =	swait.ge @!p0 [sflag:s8], $0x0  }
0x24: {  	s3 =	sadd.s32 $0x88, s3;
	s6 =	simm.s32 @!p1 $0x1082;
	[sflag:s4] =	ssyncset.s32 $0xFFFFF086  }
0x25: {  	[simem:s6], [sflag:s4] =	dma.local [hbm:s3], $0xF7A  }
0x26: {  	[smem:$0x3F90] =	sst s1;
	(tag) =	ssettag s2;
	_ =	strace s9  }
0x27: {  	s1 =	sld [smem:$0x3FA0]  }
0x28: {  	s2 =	sld [smem:$0x3FA1]  }
0x29: {  	s4 =	sld [smem:$0x3FA3]  }
0x2a: {  	p0 =	seq.s32 s5, $0x0;
	s5 =	sld [smem:$0x3FA4]  }
0x2b: {  	s6 =	sld [smem:$0x3FA5]  }
0x2c: {  	s7 =	sld [smem:$0x3FA6]  }
0x2d: {  	s3 =	simm.s32 $0x108;
	s8 =	sld [smem:$0x3FA7]  }
0x2e: {  	s3 =	simm.s32 @!p0 $0x1082;
	s9 =	sld [smem:$0x3FA8]  }
0x2f: {  	lr =	sadd.s32 s0, s3;
	s0 =	sld [smem:$0x3F9F]  }
0x30: {  	s3 =	sld [smem:$0x3FA2]  }
0x31: {  	[smem:$0x3FAB] =	sst s10  }
0x32: {  	s10 =	sld [smem:$0x3FA9];
	_ =	sdelay $0x3  }
0x33: {  	p0 =	seq.s32 s10, $0x1;
	s10 =	sld [smem:$0x3FAB];
	_ =	sdelay $0x3  }
0x34: {  	[smem:$0x3FAB] =	sst s10  }
0x35: {  	s10 =	sld [smem:$0x3FAA];
	_ =	sdelay $0x3  }
0x36: {  	p1 =	seq.s32 s10, $0x1;
	s10 =	sld [smem:$0x3FAB];
	_ =	sdelay $0x3  }
0x37: {  	[smem:$0x3FAB] =	sst s10  }
0x38: {  	s10 =	sld [smem:$0x3FAC]  }
0x39: {  	_ = 	snop;
	(pc) =	sbr.ind lr, $3  }
0x3a: {  	_ = 	snop  }
0x3b: {  	_ = 	snop  }
0x3c: {  	p2 =	seq.s32 s10, $0x1;
	s10 =	sld [smem:$0x3FAB]  }
0x3d: {  	_ =	shalt  }
0x3e: {  	_ =	shalt  }
0x3f: {  	_ =	shalt  }
0x40: {  	_ =	shalt  }
0x41: {  	_ =	shalt  }
0x42: {  	_ =	shalt  }
0x43: {  	_ =	shalt  }
0x44: {  	_ =	shalt  }
0x45: {  	_ =	shalt  }
0x46: {  	_ =	shalt  }
0x47: {  	_ =	shalt  }
0x48: {  	_ =	shalt  }
0x49: {  	_ =	shalt  }
0x4a: {  	_ =	shalt  }
0x4b: {  	_ =	shalt  }
0x4c: {  	_ =	shalt  }
0x4d: {  	_ =	shalt  }
0x4e: {  	_ =	shalt  }
0x4f: {  	_ =	shalt  }
0x50: {  	_ =	shalt  }
0x51: {  	_ =	shalt  }
0x52: {  	_ =	shalt  }
0x53: {  	_ =	shalt  }
0x54: {  	_ =	shalt  }
0x55: {  	_ =	shalt  }
0x56: {  	_ =	shalt  }
0x57: {  	_ =	shalt  }
0x58: {  	_ =	shalt  }
0x59: {  	_ =	shalt  }
0x5a: {  	_ =	shalt  }
0x5b: {  	_ =	shalt  }
0x5c: {  	_ =	shalt  }
0x5d: {  	_ =	shalt  }
0x5e: {  	_ =	shalt  }
0x5f: {  	_ =	shalt  }
0x60: {  	_ =	shalt  }
0x61: {  	_ =	shalt  }
0x62: {  	_ =	shalt  }
0x63: {  	_ =	shalt  }
0x64: {  	_ =	shalt  }
0x65: {  	_ =	shalt  }
0x66: {  	_ =	shalt  }
0x67: {  	_ =	shalt  }
0x68: {  	_ =	shalt  }
0x69: {  	_ =	shalt  }
0x6a: {  	_ =	shalt  }
0x6b: {  	_ =	shalt  }
0x6c: {  	_ =	shalt  }
0x6d: {  	_ =	shalt  }
0x6e: {  	_ =	shalt  }
0x6f: {  	_ =	shalt  }
0x70: {  	_ =	shalt  }
0x71: {  	_ =	shalt  }
0x72: {  	_ =	shalt  }
0x73: {  	_ =	shalt  }
0x74: {  	_ =	shalt  }
0x75: {  	_ =	shalt  }
0x76: {  	_ =	shalt  }
0x77: {  	_ =	shalt  }
0x78: {  	_ =	shalt  }
0x79: {  	_ =	shalt  }
0x7a: {  	_ =	shalt  }
0x7b: {  	_ =	shalt  }
0x7c: {  	_ =	shalt  }
0x7d: {  	_ =	shalt  }
0x7e: {  	_ =	shalt  }
0x7f: {  	_ =	shalt  }
0x80: {  	_ =	shalt  }
0x81: {  	_ =	shalt  }
0x82: {  	_ =	shalt  }
0x83: {  	_ =	shalt  }
0x84: {  	_ =	shalt  }
0x85: {  	_ =	shalt  }
0x86: {  	_ =	shalt  }
0x87: {  	_ =	shalt  }
.Lfunc_end0:
.L_simem_size_0:
called_computation.2_lowered:
.L_overlay_start_0:
0x88: {  	s2 =	sld [smem:$0x3FD9]  }
0x89: {  	s3 =	sld [smem:$0x3FFE];
	_ =	sdelay $0x1  }
0x8a: {  	s1 =	srdreg.scid  }
0x8b: {  	s0 =	sand.u32 $0x1, s1  }
0x8c: {  	s16 =	sshll.u32 s0, $0xA;
	s2 =	sadd.s32 s3, s2  }
0x8d: {  	s2 =	sadd.s32 s2, s16  }
0x8e: {  	[smem:$0x3FB7] =	sst s2  }
0x8f: {  	_ = 	snop  }
0x90: {  	(tm) =	ssettm $0x1  }
0x91: {  	s17 =	sld [smem:$0x3FFB];
	_ =	sdelay $0x3  }
0x92: {  	_ =	strace s17  }
0x93: {  	s2 =	sld [smem:$0x3FFC];
	_ =	sdelay $0x3  }
0x94: {  	_ =	strace s2  }
0x95: {  	s2 =	sld [smem:$0x3FFD];
	_ =	sdelay $0x3  }
0x96: {  	_ =	strace s2  }
0x97: {  	_ =	strace $0x8FFFFFFF  }
0x98: {  	s18 =	sld [smem:$0x3FDB];
	_ =	sdelay $0x1  }
0x99: {  	s19 =	simm.s32 $_scs_section_size  }
0x9a: {  	s4 =	simm.s32 $_size__tile_overlayer_lowered;
	s5 =	simm.s32 $_tile_overlayer_lowered  }
0x9b: {  	s22 =	simm.s32 $0x1BFF;
	s21 =	sshll.u32 s5, $0x1;
	s2 =	sadd.s32 s19, s18  }
0x9c: {  	s6 =	simm.s32 $0x0;
	s20 =	sshll.u32 s4, $0x1;
	s4 =	sadd.s32 s21, s2  }
0x9d: {  	[timem:s6], [sflag:s22] =	dma.local [hbm:s4], s20  }
0x9e: {  	_ =	swait.ge [sflag:s22], s20  }
0x9f: {  	s3 =	ssub.s32 $0x0, s20;
	[sflag:s22] =	ssyncset.done $0x0  }
0xa0: {  	[sflag:s22] =	ssyncadd.s32 s3;
	_ =	sdelay $0x1  }
0xa1: {  	s23 =	simm.s32 $0x1B8B  }
0xa2: {  	_ =	swait.ge [sflag:s23], $0x1  }
0xa3: {  	[sflag:s23] =	ssyncset.done $0x0  }
0xa4: {  	s25 =	simm.s32 $0x1B8E;
	s24 =	sld [smem:$0x3FFE];
	[sflag:s23] =	ssyncadd.s32 $0xFFFFFFFF  }
0xa5: {  	s26 =	simm.s32 $execute0_lowered;
	[smem:$0x3FD2] =	sst s25  }
0xa6: {  	s4 =	sshll.u32 s26, $0x1;
	_ =	strace $0x8000004C;
	[dreg:$0x1] =	wrdreg $0xFFFFFFFF  }
0xa7: {  	s28 =	simm.s32 $_size_execute0_lowered;
	s2 =	sadd.s32 s2, s4;
	[dreg:$0x0] =	wrdreg $0x0  }
0xa8: {  	s4 =	sshll.u32 s28, $0x1;
	[dreg:$0x2] =	wrdreg s2  }
0xa9: {  	[dreg:$0x3] =	wrdreg s4  }
0xaa: {  	[dreg:$0x4] =	wrdreg $0xC0  }
0xab: {  	_ =	task [dreg:s6], $0x5FFFF  }
0xac: {  	[dreg:$0x1] =	wrdreg $0xFFFFFFFF  }
0xad: {  	[dreg:$0x0] =	wrdreg $0x60  }
0xae: {  	[dreg:$0x2] =	wrdreg s24  }
0xaf: {  	[dreg:$0x3] =	wrdreg $0x9  }
0xb0: {  	_ =	task.clear_ibuf [dreg:s6], $0x4FFFF;
	_ =	strace $0x9000004C  }
0xb1: {  	s29 =	simm.s32 $0x9;
	_ =	strace $0x8000004E  }
0xb2: {  	_ =	swait.ge [sflag:s29], $0x1  }
0xb3: {  	[sflag:s29] =	ssyncadd.s32 $0xFFFFFFFF  }
0xb4: {  	_ =	strace $0x9000004E  }
0xb5: {  	_ =	sfence  }
0xb6: {  	s30 =	sld [smem:$0x0];
	_ =	sdelay $0x2  }
0xb7: {  	s31 =	sshll.u32 s1, $0xD;
	s1 =	sshrl.u32 s1, $0x2  }
0xb8: {  	s3 =	sand.u32 $0x4000, s31;
	s1 =	sadd.s32 s1, s30  }
0xb9: {  	s0 =	sor.u32 s3, s0;
	s1 =	sshll.u32 s1, $0x11  }
0xba: {  	s0 =	sor.u32 s1, s0  }
0xbb: {  	s0 =	sadd.s32 $0x8F2B, s0  }
0xbc: {  	[sflag:s0] =	ssyncadd.remote.s32 $0x1  }
0xbd: {  	_ =	sfence.sel $0xFFFF  }
0xbe: {  	[dreg:$0x0] =	wrdreg $0xFFFFFFFF;
	(pc) =	sbr.abs _section_cstart, $3  }
0xbf: {  	[dreg:$0x1] =	wrdreg $0xFFFFFFFF  }
0xc0: {  	_ =	task.clear_ibuf [dreg:s6], $0x2FFFF;
	_ =	strace $0x9FFFFFFF  }
0xc1: {  	(tm) =	ssettm $0x7FFFFFFF  }
tec
execute0_lowered:
.L_overlay_start_1:
0x0: {  	(tag) =	ssettag $0x1  }
0x1: {  	s0 =	stileid.u32;
	s1 =	srdreg.scid  }
0x2: {  	s1 =	sand.u32 $0x1, s1;
	s2 =	sshll.u32 s0, $0x1  }
0x3: {  	s1 =	sor.u32 s2, s1  }
0x4: {  	s2 =	smul.u32 $0xC0, s1;
	_ =	sdelay $0x1  }
0x5: {  	s6 =	ssub.s32 $0x29880, s2  }
0x6: {  	s8 =	rddreg [dreg:$0x0];
	s5 =	simm.s32 $0x1;
	s7 =	smulhi.u32 $0xAAAAB, s6  }
0x7: {  	s10 =	simm.s32 $0x3;
	s13 =	simm.s32 $0x0;
	s12 =	simm.s32 $0x0  }
0x8: {  	s3 =	sadd.s32 $0xDBA00, s8;
	s4 =	sadd.s32 $0x8800, s8;
	s9 =	smul.u32 $0x1800, s7  }
.Ltmp0:
0x9: {  	s8 =	sadd.s32 $0xDC00, s8;
	s1 =	rddreg [dreg:$0x1];
	(pc) =	sbr.rel .LBB2_1-.Ltmp0, $4  }
0xa: {  	_ =	strace $0x8000004D;
	p0 =	sne.s32 s6, s9;
	s9 =	simm.s32 $0x1  }
0xb: {  	[sflag:s5] =	ssyncpa.u1 $0x0;
	s6 =	simm.s32 $0x2;
	s9 =	simm.s32 @!p0 $0x0  }
0xc: {  	s11 =	smov.u32 s2;
	[sflag:s6] =	ssyncpa.u1 $0x0;
	s7 =	sadd.s32 s9, s7  }
0xd: {  	vm0 =	vmmov $0xffff;
	[sflag:s10] =	ssyncpa.u1 $0x0;
	s10 =	simm.s32 $0x0;
	s9 =	sadd.s32 $0x1, s7  }
.LBB2_4:
0xe: {  	v2 =	vnsel vm1, $0x0, v2  }
0xf: {  	vm1 =	vgt.s32 v0, $0x0;
	v2 =	vmin.u32 v2, $0x2987F  }
0x10: {  	v0 =	vnsel vm1, $0x0, v0  }
0x11: {  	v0 =	vmin.u32 v0, $0x2987F  }
0x12: {  	[tilespmem:s18], [sflag:$0x1] =	stream.indirect_vreg.gather [hbm4b:s3+s10], $0x1, v1, vm0, $0x4038;
	[tilespmem:$0x300] =	vst v63  }
0x13: {  	(ifvalue) =	ssetifvalue $0x7FFFFFFF  }
0x14: {  	[tilespmem:s15], [sflag:$0x1] =	stream.indirect_vreg.gather [hbm4b:s3+s10], $0x1, v2, vm0, $0x4038;
	[tilespmem:$0x300] =	vst v63  }
0x15: {  	s29 =	sadd.s32 $0x10, s15;
	(ifvalue) =	ssetifvalue $0x7FFFFFFF  }
0x16: {  	[tilespmem:s29], [sflag:$0x1] =	stream.indirect_vreg.gather [hbm4b:s3+s10], $0x1, v0, vm0, $0x4038;
	[tilespmem:$0x300] =	vst v63  }
0x17: {  	_ =	swait.ge [sflag:s5], $0xC0  }
0x18: {  	s30 =	sshrl.u32 s13, $0x3;
	[sflag:s5] =	ssyncset.done $0x0  }
0x19: {  	s31 =	sand.u32 $0x7, s13;
	s15 =	sadd.s32 s8, s30;
	[sflag:s5] =	ssyncadd.s32 $0xFFFFFF40  }
0x1a: {  	[hbm4b:s15+s31] =	stream.linear.scatter [tilespmem:s14], [sflag:$0x3], $0xC0, $0x38;
	[tilespmem:$0x300] =	vst v63  }
.LBB2_5:
0x1b: {  	s15 =	sadd.s32 $0x1800, s11  }
0x1c: {  	p1 =	sgt.s32 s15, $0x2987F  }
0x1d: {  	s15 =	smov.u32 @p1 s2;
	p1 =	sne.s32 s12, s9  }
.Ltmp1:
0x1e: {  	p0 =	slt.u32 s12, $0x2;
	(pc) =	sbr.rel @!p1 .LBB2_6-.Ltmp1, $4  }
0x1f: {  	s14 =	simm.s32 @!p0 $0x3  }
0x20: {  	_ =	swait.ge @!p0 [sflag:s14], $0xC0  }
0x21: {  	s16 =	sadd.s32 $0x1, s12;
	s13 =	smov.u32 s11;
	[sflag:s14] =	ssyncset.done @!p0 $0x0  }
0x22: {  	s12 =	smov.u32 s16;
	s11 =	smov.u32 s15;
	[sflag:s14] =	ssyncadd.s32 @!p0 $0xFFFFFF40  }
.LBB2_1:
0x23: {  	p0 =	sge.u32 s12, s7  }
0x24: {  	s14 =	sxor.u32 @!p0 $0xFFFFFFFF, s12  }
0x25: {  	s14 =	sand.u32 @!p0 $0x1, s14  }
0x26: {  	s14 =	smul.u32 @!p0 $0x300, s14  }
0x27: {  	s31 =	sadd.s32 $0xFFFFFFFF, s12;
	s15 =	sshrl.u32 @!p0 s11, $0x3  }
0x28: {  	s16 =	sand.u32 @!p0 $0x7, s11;
	s15 =	sadd.s32 @!p0 s4, s15;
	s14 =	sshrl.u32 @!p0 s14, $0x2  }
0x29: {  	[tilespmem:s14], [sflag:$0x2] =	stream.linear.gather @!p0 [hbm4b:s15+s16], $0xC0, $0x38;
	[tilespmem:$0x300] =	vst v63  }
0x2a: {  	p0 =	sge.u32 s31, s7  }
.Ltmp2:
0x2b: {  	_ = 	snop;
	(pc) =	sbr.rel @p0 .LBB2_5-.Ltmp2, $1  }
0x2c: {  	_ =	sdelay $0x3  }
0x2d: {  	s14 =	sand.u32 $0x1, s12  }
0x2e: {  	_ =	swait.ge [sflag:s6], $0xC0;
	p0 =	seq.s32 s14, $0x1;
	s14 =	simm.s32 $0xC0  }
0x2f: {  	[sflag:s6] =	ssyncset.done $0x0;
	s14 =	simm.s32 @!p0 $0x0  }
0x30: {  	[sflag:s6] =	ssyncadd.s32 $0xFFFFFF40;
	(ifvalue) =	ssetifvalue $0x7FFFFFFF;
	v0 =	vld.msk [tilespmem:s14+$0x0 ss:$0x1], $0xffff;
	_ =	sdelay $0x4  }
0x31: {  	s15 =	sadd.s32 $0x10, s14;
	vm1 =	vgt.s32 v0, $0x0  }
0x32: {  	v2 =	vld.msk [tilespmem:s15+$0x0 ss:$0x1], $0xffff;
	v1 =	vnsel vm1, $0x0, v0  }
0x33: {  	v1 =	vmin.u32 v1, $0x2987F;
	_ =	sdelay $0x2  }
0x34: {  	s17 =	simm.s32 $0x20;
	s14 =	sadd.s32 $0x180, s14;
	s16 =	sadd.s32 $0x10, s15  }
0x35: {  	s15 =	sadd.s32 $0x10, s14;
	s18 =	smov.u32 s14;
	v0 =	vld.msk [tilespmem:s16+$0x0 ss:$0x1], $0xffff;
	vm1 =	vgt.s32 v2, $0x0;
	(ifvalue) =	ssetifvalue $0x7FFFFFFF  }
.LBB2_3:
0x36: {  	[tilespmem:s18], [sflag:$0x1] =	stream.indirect_vreg.gather [hbm4b:s3+s10], $0x1, v1, vm0, $0x4038;
	[tilespmem:$0x300] =	vst v63  }
0x37: {  	s17 =	sadd.s32 $0x10, s17  }
0x38: {  	v2 =	vnsel vm1, $0x0, v2;
	p0 =	slt.u32 s17, $0xB0  }
.Ltmp3:
0x39: {  	s18 =	smov.u32 s15;
	v1 =	vmin.u32 v2, $0x2987F;
	(pc) =	sbr.rel @p0 .LBB2_3-.Ltmp3, $3  }
0x3a: {  	_ =	sdelay $0x1  }
0x3b: {  	s16 =	sadd.s32 $0x10, s16  }
0x3c: {  	vm1 =	vgt.s32 v0, $0x0;
	s15 =	sadd.s32 $0x10, s15;
	v2 =	vmov v0;
	(ifvalue) =	ssetifvalue $0x7FFFFFFF;
	v0 =	vld.msk [tilespmem:s16+$0x0 ss:$0x1], $0xffff  }
.Ltmp4:
0x3d: {  	_ = 	snop;
	(pc) =	sbr.rel .LBB2_4-.Ltmp4, $1  }
0x3e: {  	_ =	sdelay $0x3  }
.LBB2_6:
0x3f: {  	_ =	sfence.sel $0x180000  }
0x40: {  	s2 =	simm.s32 $0x2;
	[bflag:$0x0] =	sbarrier.arrive $0xFFFF  }
0x41: {  	s30 =	simm.s32 $0x3;
	[sflag:s2] =	ssyncpa.u1 $0x1  }
0x42: {  	s31 =	simm.s32 $0x1;
	[sflag:s30] =	ssyncpa.u1 $0x1  }
0x43: {  	[sflag:s31] =	ssyncpa.u1 $0x1  }
0x44: {  	p0 =	sne.s32 s0, $0x0;
	_ =	strace $0x9000004D  }
0x45: {  	s0 =	sadd.s32 @!p0 $0x100000, s1;
	[bflag:$0x2] =	sbarrier.arrive $0xFFFF  }
0x46: {  	[sflag:s0] =	ssyncadd.tile.s32 @!p0 $0x1;
	_ =	shalt  }
.Lfunc_end2:
_tile_overlayer_lowered:
.L_overlay_start_2:
0x47: {  	(tag) =	ssettag $0x2  }
0x48: {  	s0 =	rddreg [dreg:$0x0];
	s2 =	stileid.u32  }
0x49: {  	s1 =	rddreg [dreg:$0x1];
	p0 =	sne.s32 s2, $0x0  }
0x4a: {  	s3 =	rddreg [dreg:$0x2];
	[bflag:$0x3] =	sbarrier.arrive $0xFFFF;
	s2 =	simm.s32 @!p0 $0x1C01  }
0x4b: {  	[timem:s3], [sflag:s2] =	dma.local @!p0 [hbm:s0], s1  }
0x4c: {  	s0 =	simm.s32 @!p0 $0x1  }
0x4d: {  	_ =	swait.ge @!p0 [sflag:s0], s1  }
0x4e: {  	s1 =	ssub.s32 @!p0 $0x0, s1;
	[sflag:s0] =	ssyncset.done @!p0 $0x0  }
0x4f: {  	[sflag:s0] =	ssyncadd.s32 @!p0 s1  }
0x50: {  	[bflag:$0x3] =	sbarrier.arrive $0xFFFF  }
0x51: {  	_ =	shalt  }

// kernel: gather_offload_async_start
scs
__scs_entry_jumppad:
0x0: {  	(pc) =	sbr.rel $0x88, $3  }
0x1: {  	(tag) =	ssettag $0x0;
	lr =	simm.s32 $0x1  }
0x2: {  	[smem:$0x3F90] =	sst lr;
	_ =	strace $0xD0000000  }
0x3: {  	_ = 	snop  }
0x4: {  	_ = 	snop  }
0x5: {  	_ = 	snop  }
0x6: {  	_ = 	snop  }
0x7: {  	_ = 	snop  }
__scs_overlays_trampoline_lowered:
0x8: {  	[smem:$0x3F9F] =	sst s0  }
0x9: {  	[smem:$0x3FA0] =	sst s1  }
0xa: {  	[smem:$0x3FA1] =	sst s2  }
0xb: {  	[smem:$0x3FA2] =	sst s3  }
0xc: {  	[smem:$0x3FA3] =	sst s4  }
0xd: {  	[smem:$0x3FA4] =	sst s5  }
0xe: {  	[smem:$0x3FA5] =	sst s6  }
0xf: {  	[smem:$0x3FA6] =	sst s7  }
0x10: {  	[smem:$0x3FA7] =	sst s8  }
0x11: {  	[smem:$0x3FA8] =	sst s9;
	s0 =	simm.s32 @!p0 $0x0  }
0x12: {  	s1 =	sld [smem:$0x3F8E];
	s0 =	simm.s32 @p0 $0x1  }
0x13: {  	[smem:$0x3FA9] =	sst s0;
	s0 =	simm.s32 @!p1 $0x0  }
0x14: {  	s2 =	sld [smem:$0x3F8D];
	s0 =	simm.s32 @p1 $0x1  }
0x15: {  	[smem:$0x3FAA] =	sst s0;
	s0 =	simm.s32 @!p2 $0x0  }
0x16: {  	s3 =	sld [smem:$0x3FDB];
	s0 =	simm.s32 @p2 $0x1  }
0x17: {  	s4 =	simm.s32 $0x1BF5;
	[smem:$0x3FAC] =	sst s0  }
0x18: {  	s0 =	sld [smem:$0x3F8F];
	_ =	swait.ge [sflag:s4], $0x0  }
0x19: {  	s7 =	sld [smem:$0x3F90]  }
0x1a: {  	s8 =	sadd.s32 $0xFFFFE003, lr  }
0x1b: {  	s9 =	sadd.s32 $0xFFFFFEF7, lr;
	s5 =	simm.s32 $0xFFFFFFFF;
	p2 =	slt.u32 s8, $0xFFFFF086  }
0x1c: {  	p1 =	slt.u32 s9, $0xF7A;
	s5 =	simm.s32 @!p2 $0x0  }
0x1d: {  	s5 =	simm.s32 @p1 $0x1;
	p0 =	seq.s32 s7, s2  }
0x1e: {  	s7 =	smul.u32 @!p0 $0xF7A, s2;
	p2 =	seq.s32 @!p0 s5, $0x0  }
0x1f: {  	s9 =	smul.u32 $0xF7A, s1;
	s8 =	simm.s32 @!p0 $0x1BF5;
	p2 =	por !p2, p0  }
0x20: {  	[sflag:s8] =	ssyncset.s32 @!p0 $0xFFFFF086;
	s6 =	sadd.s32 @!p0 s3, s7;
	s7 =	simm.s32 @!p0 $0x108  }
0x21: {  	s3 =	sadd.s32 s3, s9;
	s6 =	sadd.s32 @!p0 $0x88, s6;
	s7 =	simm.s32 @p2 $0x1082  }
0x22: {  	[simem:s7], [sflag:s8] =	dma.local @!p0 [hbm:s6], $0xF7A  }
0x23: {  	s9 =	sor.u32 $0xD0000000, s2;
	s6 =	simm.s32 $0x108;
	_ =	swait.ge @!p0 [sflag:s8], $0x0  }
0x24: {  	s3 =	sadd.s32 $0x88, s3;
	s6 =	simm.s32 @!p1 $0x1082;
	[sflag:s4] =	ssyncset.s32 $0xFFFFF086  }
0x25: {  	[simem:s6], [sflag:s4] =	dma.local [hbm:s3], $0xF7A  }
0x26: {  	[smem:$0x3F90] =	sst s1;
	(tag) =	ssettag s2;
	_ =	strace s9  }
0x27: {  	s1 =	sld [smem:$0x3FA0]  }
0x28: {  	s2 =	sld [smem:$0x3FA1]  }
0x29: {  	s4 =	sld [smem:$0x3FA3]  }
0x2a: {  	p0 =	seq.s32 s5, $0x0;
	s5 =	sld [smem:$0x3FA4]  }
0x2b: {  	s6 =	sld [smem:$0x3FA5]  }
0x2c: {  	s7 =	sld [smem:$0x3FA6]  }
0x2d: {  	s3 =	simm.s32 $0x108;
	s8 =	sld [smem:$0x3FA7]  }
0x2e: {  	s3 =	simm.s32 @!p0 $0x1082;
	s9 =	sld [smem:$0x3FA8]  }
0x2f: {  	lr =	sadd.s32 s0, s3;
	s0 =	sld [smem:$0x3F9F]  }
0x30: {  	s3 =	sld [smem:$0x3FA2]  }
0x31: {  	[smem:$0x3FAB] =	sst s10  }
0x32: {  	s10 =	sld [smem:$0x3FA9];
	_ =	sdelay $0x3  }
0x33: {  	p0 =	seq.s32 s10, $0x1;
	s10 =	sld [smem:$0x3FAB];
	_ =	sdelay $0x3  }
0x34: {  	[smem:$0x3FAB] =	sst s10  }
0x35: {  	s10 =	sld [smem:$0x3FAA];
	_ =	sdelay $0x3  }
0x36: {  	p1 =	seq.s32 s10, $0x1;
	s10 =	sld [smem:$0x3FAB];
	_ =	sdelay $0x3  }
0x37: {  	[smem:$0x3FAB] =	sst s10  }
0x38: {  	s10 =	sld [smem:$0x3FAC]  }
0x39: {  	_ = 	snop;
	(pc) =	sbr.ind lr, $3  }
0x3a: {  	_ = 	snop  }
0x3b: {  	_ = 	snop  }
0x3c: {  	p2 =	seq.s32 s10, $0x1;
	s10 =	sld [smem:$0x3FAB]  }
0x3d: {  	_ =	shalt  }
0x3e: {  	_ =	shalt  }
0x3f: {  	_ =	shalt  }
0x40: {  	_ =	shalt  }
0x41: {  	_ =	shalt  }
0x42: {  	_ =	shalt  }
0x43: {  	_ =	shalt  }
0x44: {  	_ =	shalt  }
0x45: {  	_ =	shalt  }
0x46: {  	_ =	shalt  }
0x47: {  	_ =	shalt  }
0x48: {  	_ =	shalt  }
0x49: {  	_ =	shalt  }
0x4a: {  	_ =	shalt  }
0x4b: {  	_ =	shalt  }
0x4c: {  	_ =	shalt  }
0x4d: {  	_ =	shalt  }
0x4e: {  	_ =	shalt  }
0x4f: {  	_ =	shalt  }
0x50: {  	_ =	shalt  }
0x51: {  	_ =	shalt  }
0x52: {  	_ =	shalt  }
0x53: {  	_ =	shalt  }
0x54: {  	_ =	shalt  }
0x55: {  	_ =	shalt  }
0x56: {  	_ =	shalt  }
0x57: {  	_ =	shalt  }
0x58: {  	_ =	shalt  }
0x59: {  	_ =	shalt  }
0x5a: {  	_ =	shalt  }
0x5b: {  	_ =	shalt  }
0x5c: {  	_ =	shalt  }
0x5d: {  	_ =	shalt  }
0x5e: {  	_ =	shalt  }
0x5f: {  	_ =	shalt  }
0x60: {  	_ =	shalt  }
0x61: {  	_ =	shalt  }
0x62: {  	_ =	shalt  }
0x63: {  	_ =	shalt  }
0x64: {  	_ =	shalt  }
0x65: {  	_ =	shalt  }
0x66: {  	_ =	shalt  }
0x67: {  	_ =	shalt  }
0x68: {  	_ =	shalt  }
0x69: {  	_ =	shalt  }
0x6a: {  	_ =	shalt  }
0x6b: {  	_ =	shalt  }
0x6c: {  	_ =	shalt  }
0x6d: {  	_ =	shalt  }
0x6e: {  	_ =	shalt  }
0x6f: {  	_ =	shalt  }
0x70: {  	_ =	shalt  }
0x71: {  	_ =	shalt  }
0x72: {  	_ =	shalt  }
0x73: {  	_ =	shalt  }
0x74: {  	_ =	shalt  }
0x75: {  	_ =	shalt  }
0x76: {  	_ =	shalt  }
0x77: {  	_ =	shalt  }
0x78: {  	_ =	shalt  }
0x79: {  	_ =	shalt  }
0x7a: {  	_ =	shalt  }
0x7b: {  	_ =	shalt  }
0x7c: {  	_ =	shalt  }
0x7d: {  	_ =	shalt  }
0x7e: {  	_ =	shalt  }
0x7f: {  	_ =	shalt  }
0x80: {  	_ =	shalt  }
0x81: {  	_ =	shalt  }
0x82: {  	_ =	shalt  }
0x83: {  	_ =	shalt  }
0x84: {  	_ =	shalt  }
0x85: {  	_ =	shalt  }
0x86: {  	_ =	shalt  }
0x87: {  	_ =	shalt  }
.Lfunc_end0:
.L_simem_size_0:
called_computation_lowered:
.L_overlay_start_0:
0x88: {  	s2 =	sld [smem:$0x3FD9]  }
0x89: {  	s3 =	sld [smem:$0x3FFE];
	_ =	sdelay $0x1  }
0x8a: {  	s1 =	srdreg.scid  }
0x8b: {  	s0 =	sand.u32 $0x1, s1  }
0x8c: {  	s16 =	sshll.u32 s0, $0xA;
	s2 =	sadd.s32 s3, s2  }
0x8d: {  	s2 =	sadd.s32 s2, s16  }
0x8e: {  	[smem:$0x3FB7] =	sst s2  }
0x8f: {  	_ = 	snop  }
0x90: {  	(tm) =	ssettm $0x1  }
0x91: {  	s17 =	sld [smem:$0x3FFB];
	_ =	sdelay $0x3  }
0x92: {  	_ =	strace s17  }
0x93: {  	s2 =	sld [smem:$0x3FFC];
	_ =	sdelay $0x3  }
0x94: {  	_ =	strace s2  }
0x95: {  	s2 =	sld [smem:$0x3FFD];
	_ =	sdelay $0x3  }
0x96: {  	_ =	strace s2  }
0x97: {  	_ =	strace $0x8FFFFFFF  }
0x98: {  	s18 =	sld [smem:$0x3FDB];
	_ =	sdelay $0x1  }
0x99: {  	s19 =	simm.s32 $_scs_section_size  }
0x9a: {  	s4 =	simm.s32 $_size__tile_overlayer_lowered;
	s5 =	simm.s32 $_tile_overlayer_lowered  }
0x9b: {  	s22 =	simm.s32 $0x1BFF;
	s21 =	sshll.u32 s5, $0x1;
	s2 =	sadd.s32 s19, s18  }
0x9c: {  	s6 =	simm.s32 $0x0;
	s20 =	sshll.u32 s4, $0x1;
	s4 =	sadd.s32 s21, s2  }
0x9d: {  	[timem:s6], [sflag:s22] =	dma.local [hbm:s4], s20  }
0x9e: {  	_ =	swait.ge [sflag:s22], s20  }
0x9f: {  	s3 =	ssub.s32 $0x0, s20;
	[sflag:s22] =	ssyncset.done $0x0  }
0xa0: {  	[sflag:s22] =	ssyncadd.s32 s3;
	_ =	sdelay $0x1  }
0xa1: {  	s23 =	simm.s32 $0x1B8B  }
0xa2: {  	_ =	swait.ge [sflag:s23], $0x1  }
0xa3: {  	[sflag:s23] =	ssyncset.done $0x0  }
0xa4: {  	s25 =	simm.s32 $0x1B8E;
	s24 =	sld [smem:$0x3FFE];
	[sflag:s23] =	ssyncadd.s32 $0xFFFFFFFF  }
0xa5: {  	s26 =	simm.s32 $execute0_lowered;
	[smem:$0x3FD2] =	sst s25  }
0xa6: {  	s4 =	sshll.u32 s26, $0x1;
	_ =	strace $0x80000049;
	[dreg:$0x1] =	wrdreg $0xFFFFFFFF  }
0xa7: {  	s28 =	simm.s32 $_size_execute0_lowered;
	s2 =	sadd.s32 s2, s4;
	[dreg:$0x0] =	wrdreg $0x0  }
0xa8: {  	s4 =	sshll.u32 s28, $0x1;
	[dreg:$0x2] =	wrdreg s2  }
0xa9: {  	[dreg:$0x3] =	wrdreg s4  }
0xaa: {  	[dreg:$0x4] =	wrdreg $0xC0  }
0xab: {  	_ =	task [dreg:s6], $0x5FFFF  }
0xac: {  	[dreg:$0x1] =	wrdreg $0xFFFFFFFF  }
0xad: {  	[dreg:$0x0] =	wrdreg $0x60  }
0xae: {  	[dreg:$0x2] =	wrdreg s24  }
0xaf: {  	[dreg:$0x3] =	wrdreg $0x9  }
0xb0: {  	_ =	task.clear_ibuf [dreg:s6], $0x4FFFF;
	_ =	strace $0x90000049  }
0xb1: {  	s29 =	simm.s32 $0x9;
	_ =	strace $0x8000004B  }
0xb2: {  	_ =	swait.ge [sflag:s29], $0x1  }
0xb3: {  	[sflag:s29] =	ssyncadd.s32 $0xFFFFFFFF  }
0xb4: {  	_ =	strace $0x9000004B  }
0xb5: {  	_ =	sfence  }
0xb6: {  	s30 =	sld [smem:$0x0];
	_ =	sdelay $0x2  }
0xb7: {  	s31 =	sshll.u32 s1, $0xD;
	s1 =	sshrl.u32 s1, $0x2  }
0xb8: {  	s3 =	sand.u32 $0x4000, s31;
	s1 =	sadd.s32 s1, s30  }
0xb9: {  	s0 =	sor.u32 s3, s0;
	s1 =	sshll.u32 s1, $0x11  }
0xba: {  	s0 =	sor.u32 s1, s0  }
0xbb: {  	s0 =	sadd.s32 $0x8F2B, s0  }
0xbc: {  	[sflag:s0] =	ssyncadd.remote.s32 $0x1  }
0xbd: {  	_ =	sfence.sel $0xFFFF  }
0xbe: {  	[dreg:$0x0] =	wrdreg $0xFFFFFFFF;
	(pc) =	sbr.abs _section_cstart, $3  }
0xbf: {  	[dreg:$0x1] =	wrdreg $0xFFFFFFFF  }
0xc0: {  	_ =	task.clear_ibuf [dreg:s6], $0x2FFFF;
	_ =	strace $0x9FFFFFFF  }
0xc1: {  	(tm) =	ssettm $0x7FFFFFFF  }
tec
execute0_lowered:
.L_overlay_start_1:
0x0: {  	(tag) =	ssettag $0x1  }
0x1: {  	s0 =	stileid.u32;
	s1 =	srdreg.scid  }
0x2: {  	s1 =	sand.u32 $0x1, s1;
	s2 =	sshll.u32 s0, $0x1  }
0x3: {  	s1 =	sor.u32 s2, s1  }
0x4: {  	s2 =	smul.u32 $0xC0, s1;
	_ =	sdelay $0x1  }
0x5: {  	s6 =	ssub.s32 $0x29880, s2  }
0x6: {  	s8 =	rddreg [dreg:$0x0];
	s5 =	simm.s32 $0x1;
	s7 =	smulhi.u32 $0xAAAAB, s6  }
0x7: {  	s10 =	simm.s32 $0x3;
	s13 =	simm.s32 $0x0;
	s12 =	simm.s32 $0x0  }
0x8: {  	s3 =	sadd.s32 $0xDC00, s8;
	s4 =	sadd.s32 $0x8800, s8;
	s9 =	smul.u32 $0x1800, s7  }
.Ltmp0:
0x9: {  	s8 =	sadd.s32 $0x2E00, s8;
	s1 =	rddreg [dreg:$0x1];
	(pc) =	sbr.rel .LBB2_1-.Ltmp0, $4  }
0xa: {  	_ =	strace $0x8000004A;
	p0 =	sne.s32 s6, s9;
	s9 =	simm.s32 $0x1  }
0xb: {  	[sflag:s5] =	ssyncpa.u1 $0x0;
	s6 =	simm.s32 $0x2;
	s9 =	simm.s32 @!p0 $0x0  }
0xc: {  	s11 =	smov.u32 s2;
	[sflag:s6] =	ssyncpa.u1 $0x0;
	s7 =	sadd.s32 s9, s7  }
0xd: {  	vm0 =	vmmov $0xffff;
	[sflag:s10] =	ssyncpa.u1 $0x0;
	s10 =	simm.s32 $0x0;
	s9 =	sadd.s32 $0x1, s7  }
.LBB2_4:
0xe: {  	v2 =	vnsel vm1, $0x0, v2  }
0xf: {  	vm1 =	vgt.s32 v0, $0x0;
	v2 =	vmin.u32 v2, $0x2987F  }
0x10: {  	v0 =	vnsel vm1, $0x0, v0  }
0x11: {  	v0 =	vmin.u32 v0, $0x2987F  }
0x12: {  	[tilespmem:s18], [sflag:$0x1] =	stream.indirect_vreg.gather [hbm4b:s3+s10], $0x1, v1, vm0, $0x4038;
	[tilespmem:$0x300] =	vst v63  }
0x13: {  	(ifvalue) =	ssetifvalue $0x7FFFFFFF  }
0x14: {  	[tilespmem:s15], [sflag:$0x1] =	stream.indirect_vreg.gather [hbm4b:s3+s10], $0x1, v2, vm0, $0x4038;
	[tilespmem:$0x300] =	vst v63  }
0x15: {  	s29 =	sadd.s32 $0x10, s15;
	(ifvalue) =	ssetifvalue $0x7FFFFFFF  }
0x16: {  	[tilespmem:s29], [sflag:$0x1] =	stream.indirect_vreg.gather [hbm4b:s3+s10], $0x1, v0, vm0, $0x4038;
	[tilespmem:$0x300] =	vst v63  }
0x17: {  	_ =	swait.ge [sflag:s5], $0xC0  }
0x18: {  	s30 =	sshrl.u32 s13, $0x3;
	[sflag:s5] =	ssyncset.done $0x0  }
0x19: {  	s31 =	sand.u32 $0x7, s13;
	s15 =	sadd.s32 s8, s30;
	[sflag:s5] =	ssyncadd.s32 $0xFFFFFF40  }
0x1a: {  	[hbm4b:s15+s31] =	stream.linear.scatter [tilespmem:s14], [sflag:$0x3], $0xC0, $0x38;
	[tilespmem:$0x300] =	vst v63  }
.LBB2_5:
0x1b: {  	s15 =	sadd.s32 $0x1800, s11  }
0x1c: {  	p1 =	sgt.s32 s15, $0x2987F  }
0x1d: {  	s15 =	smov.u32 @p1 s2;
	p1 =	sne.s32 s12, s9  }
.Ltmp1:
0x1e: {  	p0 =	slt.u32 s12, $0x2;
	(pc) =	sbr.rel @!p1 .LBB2_6-.Ltmp1, $4  }
0x1f: {  	s14 =	simm.s32 @!p0 $0x3  }
0x20: {  	_ =	swait.ge @!p0 [sflag:s14], $0xC0  }
0x21: {  	s16 =	sadd.s32 $0x1, s12;
	s13 =	smov.u32 s11;
	[sflag:s14] =	ssyncset.done @!p0 $0x0  }
0x22: {  	s12 =	smov.u32 s16;
	s11 =	smov.u32 s15;
	[sflag:s14] =	ssyncadd.s32 @!p0 $0xFFFFFF40  }
.LBB2_1:
0x23: {  	p0 =	sge.u32 s12, s7  }
0x24: {  	s14 =	sxor.u32 @!p0 $0xFFFFFFFF, s12  }
0x25: {  	s14 =	sand.u32 @!p0 $0x1, s14  }
0x26: {  	s14 =	smul.u32 @!p0 $0x300, s14  }
0x27: {  	s31 =	sadd.s32 $0xFFFFFFFF, s12;
	s15 =	sshrl.u32 @!p0 s11, $0x3  }
0x28: {  	s16 =	sand.u32 @!p0 $0x7, s11;
	s15 =	sadd.s32 @!p0 s4, s15;
	s14 =	sshrl.u32 @!p0 s14, $0x2  }
0x29: {  	[tilespmem:s14], [sflag:$0x2] =	stream.linear.gather @!p0 [hbm4b:s15+s16], $0xC0, $0x38;
	[tilespmem:$0x300] =	vst v63  }
0x2a: {  	p0 =	sge.u32 s31, s7  }
.Ltmp2:
0x2b: {  	_ = 	snop;
	(pc) =	sbr.rel @p0 .LBB2_5-.Ltmp2, $1  }
0x2c: {  	_ =	sdelay $0x3  }
0x2d: {  	s14 =	sand.u32 $0x1, s12  }
0x2e: {  	_ =	swait.ge [sflag:s6], $0xC0;
	p0 =	seq.s32 s14, $0x1;
	s14 =	simm.s32 $0xC0  }
0x2f: {  	[sflag:s6] =	ssyncset.done $0x0;
	s14 =	simm.s32 @!p0 $0x0  }
0x30: {  	[sflag:s6] =	ssyncadd.s32 $0xFFFFFF40;
	(ifvalue) =	ssetifvalue $0x7FFFFFFF;
	v0 =	vld.msk [tilespmem:s14+$0x0 ss:$0x1], $0xffff;
	_ =	sdelay $0x4  }
0x31: {  	s15 =	sadd.s32 $0x10, s14;
	vm1 =	vgt.s32 v0, $0x0  }
0x32: {  	v2 =	vld.msk [tilespmem:s15+$0x0 ss:$0x1], $0xffff;
	v1 =	vnsel vm1, $0x0, v0  }
0x33: {  	v1 =	vmin.u32 v1, $0x2987F;
	_ =	sdelay $0x2  }
0x34: {  	s17 =	simm.s32 $0x20;
	s14 =	sadd.s32 $0x180, s14;
	s16 =	sadd.s32 $0x10, s15  }
0x35: {  	s15 =	sadd.s32 $0x10, s14;
	s18 =	smov.u32 s14;
	v0 =	vld.msk [tilespmem:s16+$0x0 ss:$0x1], $0xffff;
	vm1 =	vgt.s32 v2, $0x0;
	(ifvalue) =	ssetifvalue $0x7FFFFFFF  }
.LBB2_3:
0x36: {  	[tilespmem:s18], [sflag:$0x1] =	stream.indirect_vreg.gather [hbm4b:s3+s10], $0x1, v1, vm0, $0x4038;
	[tilespmem:$0x300] =	vst v63  }
0x37: {  	s17 =	sadd.s32 $0x10, s17  }
0x38: {  	v2 =	vnsel vm1, $0x0, v2;
	p0 =	slt.u32 s17, $0xB0  }
.Ltmp3:
0x39: {  	s18 =	smov.u32 s15;
	v1 =	vmin.u32 v2, $0x2987F;
	(pc) =	sbr.rel @p0 .LBB2_3-.Ltmp3, $3  }
0x3a: {  	_ =	sdelay $0x1  }
0x3b: {  	s16 =	sadd.s32 $0x10, s16  }
0x3c: {  	vm1 =	vgt.s32 v0, $0x0;
	s15 =	sadd.s32 $0x10, s15;
	v2 =	vmov v0;
	(ifvalue) =	ssetifvalue $0x7FFFFFFF;
	v0 =	vld.msk [tilespmem:s16+$0x0 ss:$0x1], $0xffff  }
.Ltmp4:
0x3d: {  	_ = 	snop;
	(pc) =	sbr.rel .LBB2_4-.Ltmp4, $1  }
0x3e: {  	_ =	sdelay $0x3  }
.LBB2_6:
0x3f: {  	_ =	sfence.sel $0x180000  }
0x40: {  	s2 =	simm.s32 $0x2;
	[bflag:$0x0] =	sbarrier.arrive $0xFFFF  }
0x41: {  	s30 =	simm.s32 $0x3;
	[sflag:s2] =	ssyncpa.u1 $0x1  }
0x42: {  	s31 =	simm.s32 $0x1;
	[sflag:s30] =	ssyncpa.u1 $0x1  }
0x43: {  	[sflag:s31] =	ssyncpa.u1 $0x1  }
0x44: {  	p0 =	sne.s32 s0, $0x0;
	_ =	strace $0x9000004A  }
0x45: {  	s0 =	sadd.s32 @!p0 $0x100000, s1;
	[bflag:$0x2] =	sbarrier.arrive $0xFFFF  }
0x46: {  	[sflag:s0] =	ssyncadd.tile.s32 @!p0 $0x1;
	_ =	shalt  }
.Lfunc_end2:
_tile_overlayer_lowered:
.L_overlay_start_2:
0x47: {  	(tag) =	ssettag $0x2  }
0x48: {  	s0 =	rddreg [dreg:$0x0];
	s2 =	stileid.u32  }
0x49: {  	s1 =	rddreg [dreg:$0x1];
	p0 =	sne.s32 s2, $0x0  }
0x4a: {  	s3 =	rddreg [dreg:$0x2];
	[bflag:$0x3] =	sbarrier.arrive $0xFFFF;
	s2 =	simm.s32 @!p0 $0x1C01  }
0x4b: {  	[timem:s3], [sflag:s2] =	dma.local @!p0 [hbm:s0], s1  }
0x4c: {  	s0 =	simm.s32 @!p0 $0x1  }
0x4d: {  	_ =	swait.ge @!p0 [sflag:s0], s1  }
0x4e: {  	s1 =	ssub.s32 @!p0 $0x0, s1;
	[sflag:s0] =	ssyncset.done @!p0 $0x0  }
0x4f: {  	[sflag:s0] =	ssyncadd.s32 @!p0 s1  }
0x50: {  	[bflag:$0x3] =	sbarrier.arrive $0xFFFF  }
0x51: {  	_ =	shalt  }

</sc_bundles>
